<compile_context>
chip_gen: v7x
topology: tpu7x:2x2x1
jax: 0.10.2.dev20260603
libtpu: 0.0.44.dev20260713+nightly
codegen_flags: <defaults>
</compile_context>

<pallas_src>
import jax
import jax.numpy as jnp
from jax import lax
from jax.experimental import pallas as pl
from jax.experimental.pallas import tpu as pltpu
from jax.experimental.pallas import tpu_sc as plsc

N = 10000
D = 128
HH = 256
NT = 2
E = 320000
HALF = D // 2
TILES = 16
PER_TILE = E // TILES
K = 80
NB = 250
EPT_PAD = NB * K
SEG = 20096
ROWS_PER_TILE = SEG // TILES
BN = 1000
GRID = N // BN


def _edge_block(x, ep, t, out_ref):
    h = jnp.maximum(
        jnp.dot(x, ep[4 * t][...], preferred_element_type=jnp.float32)
        + ep[4 * t + 1][...], 0.0)
    m = jnp.maximum(
        jnp.dot(h, ep[4 * t + 2][...], preferred_element_type=jnp.float32)
        + ep[4 * t + 3][...], 0.0)
    out_ref[t] = m


_EDGE_PARAM_SPECS = [
    pl.BlockSpec((D, HH), lambda j: (0, 0)),
    pl.BlockSpec((1, HH), lambda j: (0, 0)),
    pl.BlockSpec((HH, D), lambda j: (0, 0)),
    pl.BlockSpec((1, D), lambda j: (0, 0)),
] * NT


def _edge_args(lp):
    out = []
    for t in range(NT):
        p = lp["edge{}".format(t)]
        out += [p["W1"], p["b1"][None, :], p["W2"], p["b2"][None, :]]
    return out


def _edge_mlp_body(nf_ref, *refs):
    ep, out_ref = refs[:-1], refs[-1]
    x = nf_ref[...]
    for t in range(NT):
        _edge_block(x, ep, t, out_ref)


def _edge_mlp(nf, lp):
    return pl.pallas_call(
        _edge_mlp_body,
        grid=(GRID,),
        in_specs=[pl.BlockSpec((BN, D), lambda j: (j, 0))] + _EDGE_PARAM_SPECS,
        out_specs=pl.BlockSpec((NT, BN, D), lambda j: (0, j, 0)),
        out_shape=jax.ShapeDtypeStruct((NT, N, D), jnp.float32),
    )(nf, *_edge_args(lp))


def _node_block(nf_ref, a00_ref, a01_ref, a10_ref, a11_ref,
                w1_ref, b1_ref, w2_ref, b2_ref):
    x = jnp.maximum(nf_ref[...], 0.0)
    h = jnp.dot(x, w1_ref[0:D], preferred_element_type=jnp.float32)
    h += jnp.dot(a00_ref[0], w1_ref[D:D + HALF],
                 preferred_element_type=jnp.float32)
    h += jnp.dot(a01_ref[0], w1_ref[D + HALF:2 * D],
                 preferred_element_type=jnp.float32)
    h += jnp.dot(a10_ref[0], w1_ref[2 * D:2 * D + HALF],
                 preferred_element_type=jnp.float32)
    h += jnp.dot(a11_ref[0], w1_ref[2 * D + HALF:3 * D],
                 preferred_element_type=jnp.float32)
    h = jnp.maximum(h + b1_ref[...], 0.0)
    return (jnp.dot(h, w2_ref[...], preferred_element_type=jnp.float32)
            + b2_ref[...])


_AGG_SPECS = [
    pl.BlockSpec((1, BN, HALF), lambda j: (0, j, 0)),
    pl.BlockSpec((1, BN, HALF), lambda j: (1, j, 0)),
    pl.BlockSpec((1, BN, HALF), lambda j: (0, GRID + j, 0)),
    pl.BlockSpec((1, BN, HALF), lambda j: (1, GRID + j, 0)),
]
_NODE_PARAM_SPECS = [
    pl.BlockSpec((3 * D, HH), lambda j: (0, 0)),
    pl.BlockSpec((1, HH), lambda j: (0, 0)),
    pl.BlockSpec((HH, D), lambda j: (0, 0)),
    pl.BlockSpec((1, D), lambda j: (0, 0)),
]


def _node_args(npar):
    return [npar["W1"], npar["b1"][None, :], npar["W2"], npar["b2"][None, :]]


def _node_mlp_body(nf_ref, a00, a01, a10, a11, w1, b1, w2, b2, out_ref):
    out_ref[...] = _node_block(nf_ref, a00, a01, a10, a11, w1, b1, w2, b2)


def _node_mlp(nf, agg, npar):
    return pl.pallas_call(
        _node_mlp_body,
        grid=(GRID,),
        in_specs=([pl.BlockSpec((BN, D), lambda j: (j, 0))] + _AGG_SPECS
                  + _NODE_PARAM_SPECS),
        out_specs=pl.BlockSpec((BN, D), lambda j: (j, 0)),
        out_shape=jax.ShapeDtypeStruct((N, D), jnp.float32),
    )(nf, agg, agg, agg, agg, *_node_args(npar))


def _fused_body(nf_ref, a00, a01, a10, a11, w1, b1, w2, b2, *refs):
    ep, nf_out, m_out = refs[:-2], refs[-2], refs[-1]
    nf_next = _node_block(nf_ref, a00, a01, a10, a11, w1, b1, w2, b2)
    nf_out[...] = nf_next
    for t in range(NT):
        _edge_block(nf_next, ep, t, m_out)


def _fused_node_edge(nf, agg, npar, lp_next):
    return pl.pallas_call(
        _fused_body,
        grid=(GRID,),
        in_specs=([pl.BlockSpec((BN, D), lambda j: (j, 0))] + _AGG_SPECS
                  + _NODE_PARAM_SPECS + _EDGE_PARAM_SPECS),
        out_specs=[
            pl.BlockSpec((BN, D), lambda j: (j, 0)),
            pl.BlockSpec((NT, BN, D), lambda j: (0, j, 0)),
        ],
        out_shape=[
            jax.ShapeDtypeStruct((N, D), jnp.float32),
            jax.ShapeDtypeStruct((NT, N, D), jnp.float32),
        ],
    )(nf, agg, agg, agg, agg, *_node_args(npar), *_edge_args(lp_next))


def _sc_agg_body(m4_hbm, gidx_hbm, sidx_hbm, zeros_hbm, out_hbm,
                 agg_sh, gvc, svc, rows, semg):
    c = lax.axis_index("c")
    s = lax.axis_index("s")
    pltpu.sync_copy(zeros_hbm, agg_sh.at[pl.ds(s * ROWS_PER_TILE, ROWS_PER_TILE)])
    plsc.subcore_barrier()

    pltpu.sync_copy(gidx_hbm.at[c, s], gvc)
    pltpu.sync_copy(sidx_hbm.at[s], svc)

    def gather(b, j):
        pltpu.async_copy(m4_hbm.at[gvc.at[b]], rows[j], semg[j])

    def wait_gather(b, j):
        pltpu.make_async_copy(m4_hbm.at[gvc.at[b]], rows[j], semg[j]).wait()

    gather(0, 0)

    def step(b, j):
        j1 = (j + 1) % 2

        @pl.when(b + 1 < NB)
        def _():
            gather(b + 1, j1)

        wait_gather(b, j)
        pltpu.sync_copy(rows[j], agg_sh.at[svc.at[b]], add=True)

    def body(i, carry):
        b0 = 2 * i
        step(b0, 0)
        step(b0 + 1, 1)
        return carry

    lax.fori_loop(0, NB // 2, body, 0)
    plsc.subcore_barrier()
    pltpu.sync_copy(agg_sh.at[pl.ds(s * ROWS_PER_TILE, ROWS_PER_TILE)],
                    out_hbm.at[c, pl.ds(s * ROWS_PER_TILE, ROWS_PER_TILE)])


def _sc_agg(m4, gidx, sidx, zeros):
    mesh = plsc.VectorSubcoreMesh(core_axis_name="c", subcore_axis_name="s")
    kern = pl.kernel(
        _sc_agg_body,
        out_type=jax.ShapeDtypeStruct((NT, SEG, HALF), jnp.float32),
        mesh=mesh,
        scratch_types=[
            pltpu.VMEM_SHARED((SEG, HALF), jnp.float32),
            pltpu.VMEM((NB, K), jnp.int32),
            pltpu.VMEM((NB, K), jnp.int32),
            [pltpu.VMEM((K, HALF), jnp.float32) for _ in range(2)],
            [pltpu.SemaphoreType.DMA for _ in range(2)],
        ],
        compiler_params=pltpu.CompilerParams(use_tc_tiling_on_sc=False),
    )
    return kern(m4, gidx, sidx, zeros)


def kernel(x, edge_index, edge_type, params):
    src = edge_index[0].astype(jnp.int32)
    dst = edge_index[1].astype(jnp.int32)
    et = edge_type.astype(jnp.int32)
    base = et * N + src
    pad = EPT_PAD - PER_TILE
    gidx = jnp.pad(
        jnp.stack([base * 2, base * 2 + 1]).reshape(NT, TILES, PER_TILE),
        ((0, 0), (0, 0), (0, pad))).reshape(NT, TILES, NB, K)
    sidx = jnp.pad((et * N + dst).reshape(TILES, PER_TILE),
                   ((0, 0), (0, pad)),
                   constant_values=NT * N).reshape(TILES, NB, K)
    zeros = jnp.zeros((ROWS_PER_TILE, HALF), jnp.float32)

    nf = x
    n_layers = len(params)
    m = _edge_mlp(nf, params[0])
    for l in range(n_layers):
        m4 = m.reshape(2 * NT * N, HALF)
        agg = _sc_agg(m4, gidx, sidx, zeros)
        if l + 1 < n_layers:
            nf, m = _fused_node_edge(nf, agg, params[l]["node"], params[l + 1])
        else:
            nf = _node_mlp(nf, agg, params[l]["node"])
    return nf

# --- scband reference (transcript-rebuilt; emitter-appended) ---
"""Pipeline reference for scband-relational-graph-network-51659866637057 (READ-ONLY COPY).

The authoritative reference and input builder live on the scoring server;
editing this copy changes nothing except your own understanding.
"""

import jax, jax.numpy as jnp
import numpy as np

N_NODES = 10000
E = 320000
D = 128
H = 256
EDGE_TYPES = (0, 1)
N_LAYERS = 3  # num_hidden_layers=2 -> 3 RelationalGraphLayers (128->128 each)


def _mlp_params(key, din, dout):
    k1, k2 = jax.random.split(key)
    return {
        "W1": jax.random.normal(k1, (din, H), jnp.float32) / np.sqrt(din),
        "b1": jnp.zeros((H,), jnp.float32),
        "W2": jax.random.normal(k2, (H, dout), jnp.float32) / np.sqrt(H),
        "b2": jnp.zeros((dout,), jnp.float32),
    }


def _mlp(p, x):
    h = jax.nn.relu(x @ p["W1"] + p["b1"])
    return h @ p["W2"] + p["b2"]


def setup_inputs(seed: int = 0) -> dict:
    key = jax.random.key(seed)
    n_keys = 3 + N_LAYERS * (1 + len(EDGE_TYPES))
    ks = jax.random.split(key, n_keys)
    x = jax.random.normal(ks[0], (N_NODES, D), jnp.float32)
    edge_index = jax.random.randint(ks[1], (2, E), 0, N_NODES)
    edge_type = jax.random.randint(ks[2], (E,), 0, len(EDGE_TYPES))
    params = []
    ki = 3
    for _ in range(N_LAYERS):
        lp = {"node": _mlp_params(ks[ki], D + D * len(EDGE_TYPES), D)}
        ki += 1
        for i in EDGE_TYPES:
            lp["edge{}".format(i)] = _mlp_params(ks[ki], D, D)
            ki += 1
        params.append(lp)
    return {"x": x, "edge_index": edge_index, "edge_type": edge_type, "params": params}


def reference(x, edge_index, edge_type, params):
    # RelationalGraphNetwork forward: stacked RelationalGraphLayers,
    # use_concat=False, use_residual=False.
    src = edge_index[0]
    dst = edge_index[1]
    nf = x  # init_node_feature is the first layer input
    for l in range(N_LAYERS):
        lp = params[l]
        src_feat = nf[src]  # gather: edges.src['node_feature']
        parts = [jax.nn.relu(nf)]  # node_enc_input[:, :input_dim] = relu(node_feature)
        for i in EDGE_TYPES:
            # message_function: msg_i = relu(edge_updater_i(src_feat)) on edges of type i, else 0
            m = jax.nn.relu(_mlp(lp["edge{}".format(i)], src_feat))
            m = jnp.where((edge_type == i)[:, None], m, jnp.zeros_like(m))
            # reduce_function: sum incoming messages per destination node
            parts.append(jax.ops.segment_sum(m, dst, num_segments=N_NODES))
        enc = jnp.concatenate(parts, axis=1)  # aggregated_node_feature
        nf = _mlp(lp["node"], enc)  # apply_node_function: node_updater
    return nf

if __name__ == "__main__":
    import jax
    _d = setup_inputs()
    print(jax.jit(kernel)(*tuple(_d.values())))

</pallas_src>

<mosaic_0001>
#map = affine_map<(d0, d1) -> (0, 0)>
#map1 = affine_map<(d0, d1) -> (0, 0, 0, 0)>
#map2 = affine_map<(d0, d1) -> (0, 0, 0)>
module attributes {stable_mosaic.version = 14 : i64} {
  func.func @_sc_agg_body(%arg0: i32, %arg1: i32, %arg2: memref<40000x64xf32, #tpu.memory_space<hbm>>, %arg3: memref<2x16x250x80xi32, #tpu.memory_space<hbm>>, %arg4: memref<16x250x80xi32, #tpu.memory_space<hbm>>, %arg5: memref<1256x64xf32, #tpu.memory_space<hbm>>, %arg6: memref<2x20096x64xf32, #tpu.memory_space<hbm>>, %arg7: memref<20096x64xf32, #tpu.memory_space<vmem_shared>>, %arg8: memref<250x80xi32, #tpu.memory_space<vmem>>, %arg9: memref<250x80xi32, #tpu.memory_space<vmem>>, %arg10: memref<80x64xf32, #tpu.memory_space<vmem>>, %arg11: memref<80x64xf32, #tpu.memory_space<vmem>>, %arg12: memref<!tpu.dma_semaphore, #tpu.memory_space<semaphore_mem>>, %arg13: memref<!tpu.dma_semaphore, #tpu.memory_space<semaphore_mem>>) attributes {dimension_semantics = [#tpu.dimension_semantics<core_parallel>, #tpu.dimension_semantics<subcore_parallel>], iteration_bounds = array<i64: 2, 16>, scalar_prefetch = 0 : i64, scratch_operands = 7 : i64, tpu.core_type = #tpu.core_type<sc_vector_subcore>, window_params = [{transform_indices = #map}, {transform_indices = #map1}, {transform_indices = #map2}, {transform_indices = #map}, {transform_indices = #map2}]} {
    %mul3A = arith.constant 1256 : i32
    %mul3A_0 = arith.muli %arg1, %mul3A : i32
    "tpu.region"() ({
      %run_scoped3A = tpu.sem_alloc : memref<!tpu.dma_semaphore, #tpu.memory_space<semaphore_mem>>
      %dma_start3A_17 = arith.constant 0 : i32
      %dma_start3A_18 = tpu.memref_slice %arg7[%mul3A_0, %dma_start3A_17] : memref<20096x64xf32, #tpu.memory_space<vmem_shared>> -> memref<1256x64xf32, #tpu.memory_space<vmem_shared>>
      tpu.enqueue_dma source(%arg5 : memref<1256x64xf32, #tpu.memory_space<hbm>>) target(%dma_start3A_18 : memref<1256x64xf32, #tpu.memory_space<vmem_shared>>) target_semaphore(%run_scoped3A : memref<!tpu.dma_semaphore, #tpu.memory_space<semaphore_mem>>)
      %dma_wait3A = arith.constant 0 : i32
      %dma_wait3A_19 = tpu.memref_slice %arg7[%mul3A_0, %dma_wait3A] : memref<20096x64xf32, #tpu.memory_space<vmem_shared>> -> memref<1256x64xf32, #tpu.memory_space<vmem_shared>>
      tpu.wait_dma2 semaphore(%run_scoped3A : memref<!tpu.dma_semaphore, #tpu.memory_space<semaphore_mem>>) src(%arg5 : memref<1256x64xf32, #tpu.memory_space<hbm>>) dst(%dma_wait3A_19 : memref<1256x64xf32, #tpu.memory_space<vmem_shared>>)
      tpu.yield
    }) : () -> ()
    %barrier3A = arith.constant 0 : index
    tpu.barrier barrier_id(%barrier3A)
    "tpu.region"() ({
      %run_scoped3A = tpu.sem_alloc : memref<!tpu.dma_semaphore, #tpu.memory_space<semaphore_mem>>
      %dma_start3A_17 = arith.constant 0 : i32
      %dma_start3A_18 = arith.constant 0 : i32
      %dma_start3A_19 = tpu.memref_slice %arg3[%arg0, %arg1, %dma_start3A_17, %dma_start3A_18] : memref<2x16x250x80xi32, #tpu.memory_space<hbm>> -> memref<1x1x250x80xi32, #tpu.memory_space<hbm>>
      %dma_start3A_20 = tpu.memref_squeeze %dma_start3A_19 : memref<1x1x250x80xi32, #tpu.memory_space<hbm>> -> memref<250x80xi32, #tpu.memory_space<hbm>>
      %dma_start3A_21 = arith.constant 0 : i32
      %dma_start3A_22 = arith.constant 0 : i32
      %dma_start3A_23 = tpu.memref_slice %arg3[%arg0, %arg1, %dma_start3A_21, %dma_start3A_22] : memref<2x16x250x80xi32, #tpu.memory_space<hbm>> -> memref<1x1x250x80xi32, #tpu.memory_space<hbm>>
      %dma_start3A_24 = tpu.memref_squeeze %dma_start3A_23 : memref<1x1x250x80xi32, #tpu.memory_space<hbm>> -> memref<250x80xi32, #tpu.memory_space<hbm>>
      tpu.enqueue_dma source(%dma_start3A_24 : memref<250x80xi32, #tpu.memory_space<hbm>>) target(%arg8 : memref<250x80xi32, #tpu.memory_space<vmem>>) target_semaphore(%run_scoped3A : memref<!tpu.dma_semaphore, #tpu.memory_space<semaphore_mem>>)
      %dma_wait3A = arith.constant 0 : i32
      %dma_wait3A_25 = arith.constant 0 : i32
      %dma_wait3A_26 = tpu.memref_slice %arg3[%arg0, %arg1, %dma_wait3A, %dma_wait3A_25] : memref<2x16x250x80xi32, #tpu.memory_space<hbm>> -> memref<1x1x250x80xi32, #tpu.memory_space<hbm>>
      %dma_wait3A_27 = tpu.memref_squeeze %dma_wait3A_26 : memref<1x1x250x80xi32, #tpu.memory_space<hbm>> -> memref<250x80xi32, #tpu.memory_space<hbm>>
      %dma_wait3A_28 = arith.constant 0 : i32
      %dma_wait3A_29 = arith.constant 0 : i32
      %dma_wait3A_30 = tpu.memref_slice %arg3[%arg0, %arg1, %dma_wait3A_28, %dma_wait3A_29] : memref<2x16x250x80xi32, #tpu.memory_space<hbm>> -> memref<1x1x250x80xi32, #tpu.memory_space<hbm>>
      %dma_wait3A_31 = tpu.memref_squeeze %dma_wait3A_30 : memref<1x1x250x80xi32, #tpu.memory_space<hbm>> -> memref<250x80xi32, #tpu.memory_space<hbm>>
      tpu.wait_dma2 semaphore(%run_scoped3A : memref<!tpu.dma_semaphore, #tpu.memory_space<semaphore_mem>>) src(%dma_wait3A_31 : memref<250x80xi32, #tpu.memory_space<hbm>>) dst(%arg8 : memref<250x80xi32, #tpu.memory_space<vmem>>)
      tpu.yield
    }) : () -> ()
    "tpu.region"() ({
      %run_scoped3A = tpu.sem_alloc : memref<!tpu.dma_semaphore, #tpu.memory_space<semaphore_mem>>
      %dma_start3A_17 = arith.constant 0 : i32
      %dma_start3A_18 = arith.constant 0 : i32
      %dma_start3A_19 = tpu.memref_slice %arg4[%arg1, %dma_start3A_17, %dma_start3A_18] : memref<16x250x80xi32, #tpu.memory_space<hbm>> -> memref<1x250x80xi32, #tpu.memory_space<hbm>>
      %dma_start3A_20 = tpu.memref_squeeze %dma_start3A_19 : memref<1x250x80xi32, #tpu.memory_space<hbm>> -> memref<250x80xi32, #tpu.memory_space<hbm>>
      %dma_start3A_21 = arith.constant 0 : i32
      %dma_start3A_22 = arith.constant 0 : i32
      %dma_start3A_23 = tpu.memref_slice %arg4[%arg1, %dma_start3A_21, %dma_start3A_22] : memref<16x250x80xi32, #tpu.memory_space<hbm>> -> memref<1x250x80xi32, #tpu.memory_space<hbm>>
      %dma_start3A_24 = tpu.memref_squeeze %dma_start3A_23 : memref<1x250x80xi32, #tpu.memory_space<hbm>> -> memref<250x80xi32, #tpu.memory_space<hbm>>
      tpu.enqueue_dma source(%dma_start3A_24 : memref<250x80xi32, #tpu.memory_space<hbm>>) target(%arg9 : memref<250x80xi32, #tpu.memory_space<vmem>>) target_semaphore(%run_scoped3A : memref<!tpu.dma_semaphore, #tpu.memory_space<semaphore_mem>>)
      %dma_wait3A = arith.constant 0 : i32
      %dma_wait3A_25 = arith.constant 0 : i32
      %dma_wait3A_26 = tpu.memref_slice %arg4[%arg1, %dma_wait3A, %dma_wait3A_25] : memref<16x250x80xi32, #tpu.memory_space<hbm>> -> memref<1x250x80xi32, #tpu.memory_space<hbm>>
      %dma_wait3A_27 = tpu.memref_squeeze %dma_wait3A_26 : memref<1x250x80xi32, #tpu.memory_space<hbm>> -> memref<250x80xi32, #tpu.memory_space<hbm>>
      %dma_wait3A_28 = arith.constant 0 : i32
      %dma_wait3A_29 = arith.constant 0 : i32
      %dma_wait3A_30 = tpu.memref_slice %arg4[%arg1, %dma_wait3A_28, %dma_wait3A_29] : memref<16x250x80xi32, #tpu.memory_space<hbm>> -> memref<1x250x80xi32, #tpu.memory_space<hbm>>
      %dma_wait3A_31 = tpu.memref_squeeze %dma_wait3A_30 : memref<1x250x80xi32, #tpu.memory_space<hbm>> -> memref<250x80xi32, #tpu.memory_space<hbm>>
      tpu.wait_dma2 semaphore(%run_scoped3A : memref<!tpu.dma_semaphore, #tpu.memory_space<semaphore_mem>>) src(%dma_wait3A_31 : memref<250x80xi32, #tpu.memory_space<hbm>>) dst(%arg9 : memref<250x80xi32, #tpu.memory_space<vmem>>)
      tpu.yield
    }) : () -> ()
    %dma_start3A = arith.constant 0 : i32
    %dma_start3A_1 = arith.constant 0 : i32
    %dma_start3A_2 = tpu.memref_slice %arg8[%dma_start3A, %dma_start3A_1] : memref<250x80xi32, #tpu.memory_space<vmem>> -> memref<1x80xi32, #tpu.memory_space<vmem>>
    %dma_start3A_3 = tpu.memref_squeeze %dma_start3A_2 : memref<1x80xi32, #tpu.memory_space<vmem>> -> memref<80xi32, #tpu.memory_space<vmem>>
    %dma_start3A_4 = arith.constant 0 : i32
    %dma_start3A_5 = arith.constant 0 : i32
    %dma_start3A_6 = tpu.memref_slice %arg2[%dma_start3A_4, %dma_start3A_5] : memref<40000x64xf32, #tpu.memory_space<hbm>> -> memref<40000x64xf32, #tpu.memory_space<hbm>>
    tpu.enqueue_indirect_dma source(%dma_start3A_6 : memref<40000x64xf32, #tpu.memory_space<hbm>>) target(%arg10 : memref<80x64xf32, #tpu.memory_space<vmem>>) offsets(%dma_start3A_3 : memref<80xi32, #tpu.memory_space<vmem>>) semaphore(%arg12 : memref<!tpu.dma_semaphore, #tpu.memory_space<semaphore_mem>>)
    %scan3A = arith.constant 0 : i32
    %scan3A_7 = arith.constant 0 : i32
    %scan3A_8 = arith.constant 125 : i32
    %scan3A_9 = arith.addi %scan3A_7, %scan3A_8 : i32
    %scan3A_10 = arith.constant 1 : i32
    scf.for %scan3A_17 = %scan3A_7 to %scan3A_9 step %scan3A_10  : i32 {
      %mul3A_18 = arith.constant 2 : i32
      %mul3A_19 = arith.muli %mul3A_18, %scan3A_17 : i32
      %add3A = arith.constant 1 : i32
      %add3A_20 = arith.addi %mul3A_19, %add3A : i32
      %lt3A = arith.constant 250 : i32
      %lt3A_21 = arith.cmpi slt, %add3A_20, %lt3A : i32
      %convert_element_type3A = arith.extui %lt3A_21 : i1 to i32
      %cond3A = arith.constant 0 : i32
      %cond3A_22 = arith.cmpi ne, %convert_element_type3A, %cond3A : i32
      scf.if %cond3A_22 {
        %add3A_43 = arith.constant 1 : i32
        %add3A_44 = arith.addi %mul3A_19, %add3A_43 : i32
        %dma_start3A_45 = arith.constant 0 : i32
        %dma_start3A_46 = tpu.memref_slice %arg8[%add3A_44, %dma_start3A_45] : memref<250x80xi32, #tpu.memory_space<vmem>> -> memref<1x80xi32, #tpu.memory_space<vmem>>
        %dma_start3A_47 = tpu.memref_squeeze %dma_start3A_46 : memref<1x80xi32, #tpu.memory_space<vmem>> -> memref<80xi32, #tpu.memory_space<vmem>>
        %dma_start3A_48 = arith.constant 0 : i32
        %dma_start3A_49 = arith.constant 0 : i32
        %dma_start3A_50 = tpu.memref_slice %arg2[%dma_start3A_48, %dma_start3A_49] : memref<40000x64xf32, #tpu.memory_space<hbm>> -> memref<40000x64xf32, #tpu.memory_space<hbm>>
        tpu.enqueue_indirect_dma source(%dma_start3A_50 : memref<40000x64xf32, #tpu.memory_space<hbm>>) target(%arg11 : memref<80x64xf32, #tpu.memory_space<vmem>>) offsets(%dma_start3A_47 : memref<80xi32, #tpu.memory_space<vmem>>) semaphore(%arg13 : memref<!tpu.dma_semaphore, #tpu.memory_space<semaphore_mem>>)
      } else {
      }
      %dma_wait3A = arith.constant 0 : i32
      %dma_wait3A_23 = tpu.memref_slice %arg8[%mul3A_19, %dma_wait3A] : memref<250x80xi32, #tpu.memory_space<vmem>> -> memref<1x80xi32, #tpu.memory_space<vmem>>
      %dma_wait3A_24 = tpu.memref_squeeze %dma_wait3A_23 : memref<1x80xi32, #tpu.memory_space<vmem>> -> memref<80xi32, #tpu.memory_space<vmem>>
      %dma_wait3A_25 = arith.constant 0 : i32
      %dma_wait3A_26 = arith.constant 0 : i32
      %dma_wait3A_27 = tpu.memref_slice %arg2[%dma_wait3A_25, %dma_wait3A_26] : memref<40000x64xf32, #tpu.memory_space<hbm>> -> memref<40000x64xf32, #tpu.memory_space<hbm>>
      tpu.wait_indirect_dma semaphore(%arg12 : memref<!tpu.dma_semaphore, #tpu.memory_space<semaphore_mem>>) src(%dma_wait3A_27 : memref<40000x64xf32, #tpu.memory_space<hbm>>) dst(%arg10 : memref<80x64xf32, #tpu.memory_space<vmem>>)
      "tpu.region"() ({
        %run_scoped3A = tpu.sem_alloc : memref<!tpu.dma_semaphore, #tpu.memory_space<semaphore_mem>>
        %dma_start3A_43 = arith.constant 0 : i32
        %dma_start3A_44 = tpu.memref_slice %arg9[%mul3A_19, %dma_start3A_43] : memref<250x80xi32, #tpu.memory_space<vmem>> -> memref<1x80xi32, #tpu.memory_space<vmem>>
        %dma_start3A_45 = tpu.memref_squeeze %dma_start3A_44 : memref<1x80xi32, #tpu.memory_space<vmem>> -> memref<80xi32, #tpu.memory_space<vmem>>
        %dma_start3A_46 = arith.constant 0 : i32
        %dma_start3A_47 = arith.constant 0 : i32
        %dma_start3A_48 = tpu.memref_slice %arg7[%dma_start3A_46, %dma_start3A_47] : memref<20096x64xf32, #tpu.memory_space<vmem_shared>> -> memref<20096x64xf32, #tpu.memory_space<vmem_shared>>
        tpu.enqueue_indirect_dma source(%arg10 : memref<80x64xf32, #tpu.memory_space<vmem>>) target(%dma_start3A_48 : memref<20096x64xf32, #tpu.memory_space<vmem_shared>>) offsets(%dma_start3A_45 : memref<80xi32, #tpu.memory_space<vmem>>) semaphore(%run_scoped3A : memref<!tpu.dma_semaphore, #tpu.memory_space<semaphore_mem>>) {add = true}
        %dma_wait3A_49 = arith.constant 0 : i32
        %dma_wait3A_50 = tpu.memref_slice %arg9[%mul3A_19, %dma_wait3A_49] : memref<250x80xi32, #tpu.memory_space<vmem>> -> memref<1x80xi32, #tpu.memory_space<vmem>>
        %dma_wait3A_51 = tpu.memref_squeeze %dma_wait3A_50 : memref<1x80xi32, #tpu.memory_space<vmem>> -> memref<80xi32, #tpu.memory_space<vmem>>
        %dma_wait3A_52 = arith.constant 0 : i32
        %dma_wait3A_53 = arith.constant 0 : i32
        %dma_wait3A_54 = tpu.memref_slice %arg7[%dma_wait3A_52, %dma_wait3A_53] : memref<20096x64xf32, #tpu.memory_space<vmem_shared>> -> memref<20096x64xf32, #tpu.memory_space<vmem_shared>>
        tpu.wait_indirect_dma semaphore(%run_scoped3A : memref<!tpu.dma_semaphore, #tpu.memory_space<semaphore_mem>>) src(%arg10 : memref<80x64xf32, #tpu.memory_space<vmem>>) dst(%dma_wait3A_54 : memref<20096x64xf32, #tpu.memory_space<vmem_shared>>)
        tpu.yield
      }) : () -> ()
      %add3A_28 = arith.constant 1 : i32
      %add3A_29 = arith.addi %mul3A_19, %add3A_28 : i32
      %add3A_30 = arith.constant 1 : i32
      %add3A_31 = arith.addi %add3A_29, %add3A_30 : i32
      %lt3A_32 = arith.constant 250 : i32
      %lt3A_33 = arith.cmpi slt, %add3A_31, %lt3A_32 : i32
      %convert_element_type3A_34 = arith.extui %lt3A_33 : i1 to i32
      %cond3A_35 = arith.constant 0 : i32
      %cond3A_36 = arith.cmpi ne, %convert_element_type3A_34, %cond3A_35 : i32
      scf.if %cond3A_36 {
        %add3A_43 = arith.constant 1 : i32
        %add3A_44 = arith.addi %add3A_29, %add3A_43 : i32
        %dma_start3A_45 = arith.constant 0 : i32
        %dma_start3A_46 = tpu.memref_slice %arg8[%add3A_44, %dma_start3A_45] : memref<250x80xi32, #tpu.memory_space<vmem>> -> memref<1x80xi32, #tpu.memory_space<vmem>>
        %dma_start3A_47 = tpu.memref_squeeze %dma_start3A_46 : memref<1x80xi32, #tpu.memory_space<vmem>> -> memref<80xi32, #tpu.memory_space<vmem>>
        %dma_start3A_48 = arith.constant 0 : i32
        %dma_start3A_49 = arith.constant 0 : i32
        %dma_start3A_50 = tpu.memref_slice %arg2[%dma_start3A_48, %dma_start3A_49] : memref<40000x64xf32, #tpu.memory_space<hbm>> -> memref<40000x64xf32, #tpu.memory_space<hbm>>
        tpu.enqueue_indirect_dma source(%dma_start3A_50 : memref<40000x64xf32, #tpu.memory_space<hbm>>) target(%arg10 : memref<80x64xf32, #tpu.memory_space<vmem>>) offsets(%dma_start3A_47 : memref<80xi32, #tpu.memory_space<vmem>>) semaphore(%arg12 : memref<!tpu.dma_semaphore, #tpu.memory_space<semaphore_mem>>)
      } else {
      }
      %dma_wait3A_37 = arith.constant 0 : i32
      %dma_wait3A_38 = tpu.memref_slice %arg8[%add3A_29, %dma_wait3A_37] : memref<250x80xi32, #tpu.memory_space<vmem>> -> memref<1x80xi32, #tpu.memory_space<vmem>>
      %dma_wait3A_39 = tpu.memref_squeeze %dma_wait3A_38 : memref<1x80xi32, #tpu.memory_space<vmem>> -> memref<80xi32, #tpu.memory_space<vmem>>
      %dma_wait3A_40 = arith.constant 0 : i32
      %dma_wait3A_41 = arith.constant 0 : i32
      %dma_wait3A_42 = tpu.memref_slice %arg2[%dma_wait3A_40, %dma_wait3A_41] : memref<40000x64xf32, #tpu.memory_space<hbm>> -> memref<40000x64xf32, #tpu.memory_space<hbm>>
      tpu.wait_indirect_dma semaphore(%arg13 : memref<!tpu.dma_semaphore, #tpu.memory_space<semaphore_mem>>) src(%dma_wait3A_42 : memref<40000x64xf32, #tpu.memory_space<hbm>>) dst(%arg11 : memref<80x64xf32, #tpu.memory_space<vmem>>)
      "tpu.region"() ({
        %run_scoped3A = tpu.sem_alloc : memref<!tpu.dma_semaphore, #tpu.memory_space<semaphore_mem>>
        %dma_start3A_43 = arith.constant 0 : i32
        %dma_start3A_44 = tpu.memref_slice %arg9[%add3A_29, %dma_start3A_43] : memref<250x80xi32, #tpu.memory_space<vmem>> -> memref<1x80xi32, #tpu.memory_space<vmem>>
        %dma_start3A_45 = tpu.memref_squeeze %dma_start3A_44 : memref<1x80xi32, #tpu.memory_space<vmem>> -> memref<80xi32, #tpu.memory_space<vmem>>
        %dma_start3A_46 = arith.constant 0 : i32
        %dma_start3A_47 = arith.constant 0 : i32
        %dma_start3A_48 = tpu.memref_slice %arg7[%dma_start3A_46, %dma_start3A_47] : memref<20096x64xf32, #tpu.memory_space<vmem_shared>> -> memref<20096x64xf32, #tpu.memory_space<vmem_shared>>
        tpu.enqueue_indirect_dma source(%arg11 : memref<80x64xf32, #tpu.memory_space<vmem>>) target(%dma_start3A_48 : memref<20096x64xf32, #tpu.memory_space<vmem_shared>>) offsets(%dma_start3A_45 : memref<80xi32, #tpu.memory_space<vmem>>) semaphore(%run_scoped3A : memref<!tpu.dma_semaphore, #tpu.memory_space<semaphore_mem>>) {add = true}
        %dma_wait3A_49 = arith.constant 0 : i32
        %dma_wait3A_50 = tpu.memref_slice %arg9[%add3A_29, %dma_wait3A_49] : memref<250x80xi32, #tpu.memory_space<vmem>> -> memref<1x80xi32, #tpu.memory_space<vmem>>
        %dma_wait3A_51 = tpu.memref_squeeze %dma_wait3A_50 : memref<1x80xi32, #tpu.memory_space<vmem>> -> memref<80xi32, #tpu.memory_space<vmem>>
        %dma_wait3A_52 = arith.constant 0 : i32
        %dma_wait3A_53 = arith.constant 0 : i32
        %dma_wait3A_54 = tpu.memref_slice %arg7[%dma_wait3A_52, %dma_wait3A_53] : memref<20096x64xf32, #tpu.memory_space<vmem_shared>> -> memref<20096x64xf32, #tpu.memory_space<vmem_shared>>
        tpu.wait_indirect_dma semaphore(%run_scoped3A : memref<!tpu.dma_semaphore, #tpu.memory_space<semaphore_mem>>) src(%arg11 : memref<80x64xf32, #tpu.memory_space<vmem>>) dst(%dma_wait3A_54 : memref<20096x64xf32, #tpu.memory_space<vmem_shared>>)
        tpu.yield
      }) : () -> ()
    }
    %scan3A_11 = arith.constant 125 : i32
    %barrier3A_12 = arith.constant 0 : index
    tpu.barrier barrier_id(%barrier3A_12)
    %mul3A_13 = arith.constant 1256 : i32
    %mul3A_14 = arith.muli %arg1, %mul3A_13 : i32
    %mul3A_15 = arith.constant 1256 : i32
    %mul3A_16 = arith.muli %arg1, %mul3A_15 : i32
    "tpu.region"() ({
      %run_scoped3A = tpu.sem_alloc : memref<!tpu.dma_semaphore, #tpu.memory_space<semaphore_mem>>
      %dma_start3A_17 = arith.constant 0 : i32
      %dma_start3A_18 = tpu.memref_slice %arg6[%arg0, %mul3A_16, %dma_start3A_17] : memref<2x20096x64xf32, #tpu.memory_space<hbm>> -> memref<1x1256x64xf32, #tpu.memory_space<hbm>>
      %dma_start3A_19 = tpu.memref_squeeze %dma_start3A_18 : memref<1x1256x64xf32, #tpu.memory_space<hbm>> -> memref<1256x64xf32, #tpu.memory_space<hbm>>
      %dma_start3A_20 = arith.constant 0 : i32
      %dma_start3A_21 = tpu.memref_slice %arg7[%mul3A_14, %dma_start3A_20] : memref<20096x64xf32, #tpu.memory_space<vmem_shared>> -> memref<1256x64xf32, #tpu.memory_space<vmem_shared>>
      tpu.enqueue_dma source(%dma_start3A_21 : memref<1256x64xf32, #tpu.memory_space<vmem_shared>>) target(%dma_start3A_19 : memref<1256x64xf32, #tpu.memory_space<hbm>>) target_semaphore(%run_scoped3A : memref<!tpu.dma_semaphore, #tpu.memory_space<semaphore_mem>>)
      %dma_wait3A = arith.constant 0 : i32
      %dma_wait3A_22 = tpu.memref_slice %arg6[%arg0, %mul3A_16, %dma_wait3A] : memref<2x20096x64xf32, #tpu.memory_space<hbm>> -> memref<1x1256x64xf32, #tpu.memory_space<hbm>>
      %dma_wait3A_23 = tpu.memref_squeeze %dma_wait3A_22 : memref<1x1256x64xf32, #tpu.memory_space<hbm>> -> memref<1256x64xf32, #tpu.memory_space<hbm>>
      %dma_wait3A_24 = arith.constant 0 : i32
      %dma_wait3A_25 = tpu.memref_slice %arg7[%mul3A_14, %dma_wait3A_24] : memref<20096x64xf32, #tpu.memory_space<vmem_shared>> -> memref<1256x64xf32, #tpu.memory_space<vmem_shared>>
      tpu.wait_dma2 semaphore(%run_scoped3A : memref<!tpu.dma_semaphore, #tpu.memory_space<semaphore_mem>>) src(%dma_wait3A_25 : memref<1256x64xf32, #tpu.memory_space<vmem_shared>>) dst(%dma_wait3A_23 : memref<1256x64xf32, #tpu.memory_space<hbm>>)
      tpu.yield
    }) : () -> ()
    return
  }
}

#map = affine_map<(d0, d1) -> (0, 0)>
#map1 = affine_map<(d0, d1) -> (0, 0, 0, 0)>
#map2 = affine_map<(d0, d1) -> (0, 0, 0)>
module attributes {stable_mosaic.version = 14 : i64} {
  func.func @_sc_agg_body(%arg0: i32, %arg1: i32, %arg2: memref<40000x64xf32, #tpu.memory_space<hbm>>, %arg3: memref<2x16x250x80xi32, #tpu.memory_space<hbm>>, %arg4: memref<16x250x80xi32, #tpu.memory_space<hbm>>, %arg5: memref<1256x64xf32, #tpu.memory_space<hbm>>, %arg6: memref<2x20096x64xf32, #tpu.memory_space<hbm>>, %arg7: memref<20096x64xf32, #tpu.memory_space<vmem_shared>>, %arg8: memref<250x80xi32, #tpu.memory_space<vmem>>, %arg9: memref<250x80xi32, #tpu.memory_space<vmem>>, %arg10: memref<80x64xf32, #tpu.memory_space<vmem>>, %arg11: memref<80x64xf32, #tpu.memory_space<vmem>>, %arg12: memref<!tpu.dma_semaphore, #tpu.memory_space<semaphore_mem>>, %arg13: memref<!tpu.dma_semaphore, #tpu.memory_space<semaphore_mem>>) attributes {dimension_semantics = [#tpu.dimension_semantics<core_parallel>, #tpu.dimension_semantics<subcore_parallel>], iteration_bounds = array<i64: 2, 16>, scalar_prefetch = 0 : i64, scratch_operands = 7 : i64, tpu.core_type = #tpu.core_type<sc_vector_subcore>, window_params = [{transform_indices = #map}, {transform_indices = #map1}, {transform_indices = #map2}, {transform_indices = #map}, {transform_indices = #map2}]} {
    %mul3A = arith.constant 1256 : i32
    %mul3A_0 = arith.muli %arg1, %mul3A : i32
    "tpu.region"() ({
      %run_scoped3A = tpu.sem_alloc : memref<!tpu.dma_semaphore, #tpu.memory_space<semaphore_mem>>
      %dma_start3A_17 = arith.constant 0 : i32
      %dma_start3A_18 = tpu.memref_slice %arg7[%mul3A_0, %dma_start3A_17] : memref<20096x64xf32, #tpu.memory_space<vmem_shared>> -> memref<1256x64xf32, #tpu.memory_space<vmem_shared>>
      tpu.enqueue_dma source(%arg5 : memref<1256x64xf32, #tpu.memory_space<hbm>>) target(%dma_start3A_18 : memref<1256x64xf32, #tpu.memory_space<vmem_shared>>) target_semaphore(%run_scoped3A : memref<!tpu.dma_semaphore, #tpu.memory_space<semaphore_mem>>)
      %dma_wait3A = arith.constant 0 : i32
      %dma_wait3A_19 = tpu.memref_slice %arg7[%mul3A_0, %dma_wait3A] : memref<20096x64xf32, #tpu.memory_space<vmem_shared>> -> memref<1256x64xf32, #tpu.memory_space<vmem_shared>>
      tpu.wait_dma2 semaphore(%run_scoped3A : memref<!tpu.dma_semaphore, #tpu.memory_space<semaphore_mem>>) src(%arg5 : memref<1256x64xf32, #tpu.memory_space<hbm>>) dst(%dma_wait3A_19 : memref<1256x64xf32, #tpu.memory_space<vmem_shared>>)
      tpu.yield
    }) : () -> ()
    %barrier3A = arith.constant 0 : index
    tpu.barrier barrier_id(%barrier3A)
    "tpu.region"() ({
      %run_scoped3A = tpu.sem_alloc : memref<!tpu.dma_semaphore, #tpu.memory_space<semaphore_mem>>
      %dma_start3A_17 = arith.constant 0 : i32
      %dma_start3A_18 = arith.constant 0 : i32
      %dma_start3A_19 = tpu.memref_slice %arg3[%arg0, %arg1, %dma_start3A_17, %dma_start3A_18] : memref<2x16x250x80xi32, #tpu.memory_space<hbm>> -> memref<1x1x250x80xi32, #tpu.memory_space<hbm>>
      %dma_start3A_20 = tpu.memref_squeeze %dma_start3A_19 : memref<1x1x250x80xi32, #tpu.memory_space<hbm>> -> memref<250x80xi32, #tpu.memory_space<hbm>>
      %dma_start3A_21 = arith.constant 0 : i32
      %dma_start3A_22 = arith.constant 0 : i32
      %dma_start3A_23 = tpu.memref_slice %arg3[%arg0, %arg1, %dma_start3A_21, %dma_start3A_22] : memref<2x16x250x80xi32, #tpu.memory_space<hbm>> -> memref<1x1x250x80xi32, #tpu.memory_space<hbm>>
      %dma_start3A_24 = tpu.memref_squeeze %dma_start3A_23 : memref<1x1x250x80xi32, #tpu.memory_space<hbm>> -> memref<250x80xi32, #tpu.memory_space<hbm>>
      tpu.enqueue_dma source(%dma_start3A_24 : memref<250x80xi32, #tpu.memory_space<hbm>>) target(%arg8 : memref<250x80xi32, #tpu.memory_space<vmem>>) target_semaphore(%run_scoped3A : memref<!tpu.dma_semaphore, #tpu.memory_space<semaphore_mem>>)
      %dma_wait3A = arith.constant 0 : i32
      %dma_wait3A_25 = arith.constant 0 : i32
      %dma_wait3A_26 = tpu.memref_slice %arg3[%arg0, %arg1, %dma_wait3A, %dma_wait3A_25] : memref<2x16x250x80xi32, #tpu.memory_space<hbm>> -> memref<1x1x250x80xi32, #tpu.memory_space<hbm>>
      %dma_wait3A_27 = tpu.memref_squeeze %dma_wait3A_26 : memref<1x1x250x80xi32, #tpu.memory_space<hbm>> -> memref<250x80xi32, #tpu.memory_space<hbm>>
      %dma_wait3A_28 = arith.constant 0 : i32
      %dma_wait3A_29 = arith.constant 0 : i32
      %dma_wait3A_30 = tpu.memref_slice %arg3[%arg0, %arg1, %dma_wait3A_28, %dma_wait3A_29] : memref<2x16x250x80xi32, #tpu.memory_space<hbm>> -> memref<1x1x250x80xi32, #tpu.memory_space<hbm>>
      %dma_wait3A_31 = tpu.memref_squeeze %dma_wait3A_30 : memref<1x1x250x80xi32, #tpu.memory_space<hbm>> -> memref<250x80xi32, #tpu.memory_space<hbm>>
      tpu.wait_dma2 semaphore(%run_scoped3A : memref<!tpu.dma_semaphore, #tpu.memory_space<semaphore_mem>>) src(%dma_wait3A_31 : memref<250x80xi32, #tpu.memory_space<hbm>>) dst(%arg8 : memref<250x80xi32, #tpu.memory_space<vmem>>)
      tpu.yield
    }) : () -> ()
    "tpu.region"() ({
      %run_scoped3A = tpu.sem_alloc : memref<!tpu.dma_semaphore, #tpu.memory_space<semaphore_mem>>
      %dma_start3A_17 = arith.constant 0 : i32
      %dma_start3A_18 = arith.constant 0 : i32
      %dma_start3A_19 = tpu.memref_slice %arg4[%arg1, %dma_start3A_17, %dma_start3A_18] : memref<16x250x80xi32, #tpu.memory_space<hbm>> -> memref<1x250x80xi32, #tpu.memory_space<hbm>>
      %dma_start3A_20 = tpu.memref_squeeze %dma_start3A_19 : memref<1x250x80xi32, #tpu.memory_space<hbm>> -> memref<250x80xi32, #tpu.memory_space<hbm>>
      %dma_start3A_21 = arith.constant 0 : i32
      %dma_start3A_22 = arith.constant 0 : i32
      %dma_start3A_23 = tpu.memref_slice %arg4[%arg1, %dma_start3A_21, %dma_start3A_22] : memref<16x250x80xi32, #tpu.memory_space<hbm>> -> memref<1x250x80xi32, #tpu.memory_space<hbm>>
      %dma_start3A_24 = tpu.memref_squeeze %dma_start3A_23 : memref<1x250x80xi32, #tpu.memory_space<hbm>> -> memref<250x80xi32, #tpu.memory_space<hbm>>
      tpu.enqueue_dma source(%dma_start3A_24 : memref<250x80xi32, #tpu.memory_space<hbm>>) target(%arg9 : memref<250x80xi32, #tpu.memory_space<vmem>>) target_semaphore(%run_scoped3A : memref<!tpu.dma_semaphore, #tpu.memory_space<semaphore_mem>>)
      %dma_wait3A = arith.constant 0 : i32
      %dma_wait3A_25 = arith.constant 0 : i32
      %dma_wait3A_26 = tpu.memref_slice %arg4[%arg1, %dma_wait3A, %dma_wait3A_25] : memref<16x250x80xi32, #tpu.memory_space<hbm>> -> memref<1x250x80xi32, #tpu.memory_space<hbm>>
      %dma_wait3A_27 = tpu.memref_squeeze %dma_wait3A_26 : memref<1x250x80xi32, #tpu.memory_space<hbm>> -> memref<250x80xi32, #tpu.memory_space<hbm>>
      %dma_wait3A_28 = arith.constant 0 : i32
      %dma_wait3A_29 = arith.constant 0 : i32
      %dma_wait3A_30 = tpu.memref_slice %arg4[%arg1, %dma_wait3A_28, %dma_wait3A_29] : memref<16x250x80xi32, #tpu.memory_space<hbm>> -> memref<1x250x80xi32, #tpu.memory_space<hbm>>
      %dma_wait3A_31 = tpu.memref_squeeze %dma_wait3A_30 : memref<1x250x80xi32, #tpu.memory_space<hbm>> -> memref<250x80xi32, #tpu.memory_space<hbm>>
      tpu.wait_dma2 semaphore(%run_scoped3A : memref<!tpu.dma_semaphore, #tpu.memory_space<semaphore_mem>>) src(%dma_wait3A_31 : memref<250x80xi32, #tpu.memory_space<hbm>>) dst(%arg9 : memref<250x80xi32, #tpu.memory_space<vmem>>)
      tpu.yield
    }) : () -> ()
    %dma_start3A = arith.constant 0 : i32
    %dma_start3A_1 = arith.constant 0 : i32
    %dma_start3A_2 = tpu.memref_slice %arg8[%dma_start3A, %dma_start3A_1] : memref<250x80xi32, #tpu.memory_space<vmem>> -> memref<1x80xi32, #tpu.memory_space<vmem>>
    %dma_start3A_3 = tpu.memref_squeeze %dma_start3A_2 : memref<1x80xi32, #tpu.memory_space<vmem>> -> memref<80xi32, #tpu.memory_space<vmem>>
    %dma_start3A_4 = arith.constant 0 : i32
    %dma_start3A_5 = arith.constant 0 : i32
    %dma_start3A_6 = tpu.memref_slice %arg2[%dma_start3A_4, %dma_start3A_5] : memref<40000x64xf32, #tpu.memory_space<hbm>> -> memref<40000x64xf32, #tpu.memory_space<hbm>>
    tpu.enqueue_indirect_dma source(%dma_start3A_6 : memref<40000x64xf32, #tpu.memory_space<hbm>>) target(%arg10 : memref<80x64xf32, #tpu.memory_space<vmem>>) offsets(%dma_start3A_3 : memref<80xi32, #tpu.memory_space<vmem>>) semaphore(%arg12 : memref<!tpu.dma_semaphore, #tpu.memory_space<semaphore_mem>>)
    %scan3A = arith.constant 0 : i32
    %scan3A_7 = arith.constant 0 : i32
    %scan3A_8 = arith.constant 125 : i32
    %scan3A_9 = arith.addi %scan3A_7, %scan3A_8 : i32
    %scan3A_10 = arith.constant 1 : i32
    scf.for %scan3A_17 = %scan3A_7 to %scan3A_9 step %scan3A_10  : i32 {
      %mul3A_18 = arith.constant 2 : i32
      %mul3A_19 = arith.muli %mul3A_18, %scan3A_17 : i32
      %add3A = arith.constant 1 : i32
      %add3A_20 = arith.addi %mul3A_19, %add3A : i32
      %lt3A = arith.constant 250 : i32
      %lt3A_21 = arith.cmpi slt, %add3A_20, %lt3A : i32
      %convert_element_type3A = arith.extui %lt3A_21 : i1 to i32
      %cond3A = arith.constant 0 : i32
      %cond3A_22 = arith.cmpi ne, %convert_element_type3A, %cond3A : i32
      scf.if %cond3A_22 {
        %add3A_43 = arith.constant 1 : i32
        %add3A_44 = arith.addi %mul3A_19, %add3A_43 : i32
        %dma_start3A_45 = arith.constant 0 : i32
        %dma_start3A_46 = tpu.memref_slice %arg8[%add3A_44, %dma_start3A_45] : memref<250x80xi32, #tpu.memory_space<vmem>> -> memref<1x80xi32, #tpu.memory_space<vmem>>
        %dma_start3A_47 = tpu.memref_squeeze %dma_start3A_46 : memref<1x80xi32, #tpu.memory_space<vmem>> -> memref<80xi32, #tpu.memory_space<vmem>>
        %dma_start3A_48 = arith.constant 0 : i32
        %dma_start3A_49 = arith.constant 0 : i32
        %dma_start3A_50 = tpu.memref_slice %arg2[%dma_start3A_48, %dma_start3A_49] : memref<40000x64xf32, #tpu.memory_space<hbm>> -> memref<40000x64xf32, #tpu.memory_space<hbm>>
        tpu.enqueue_indirect_dma source(%dma_start3A_50 : memref<40000x64xf32, #tpu.memory_space<hbm>>) target(%arg11 : memref<80x64xf32, #tpu.memory_space<vmem>>) offsets(%dma_start3A_47 : memref<80xi32, #tpu.memory_space<vmem>>) semaphore(%arg13 : memref<!tpu.dma_semaphore, #tpu.memory_space<semaphore_mem>>)
      } else {
      }
      %dma_wait3A = arith.constant 0 : i32
      %dma_wait3A_23 = tpu.memref_slice %arg8[%mul3A_19, %dma_wait3A] : memref<250x80xi32, #tpu.memory_space<vmem>> -> memref<1x80xi32, #tpu.memory_space<vmem>>
      %dma_wait3A_24 = tpu.memref_squeeze %dma_wait3A_23 : memref<1x80xi32, #tpu.memory_space<vmem>> -> memref<80xi32, #tpu.memory_space<vmem>>
      %dma_wait3A_25 = arith.constant 0 : i32
      %dma_wait3A_26 = arith.constant 0 : i32
      %dma_wait3A_27 = tpu.memref_slice %arg2[%dma_wait3A_25, %dma_wait3A_26] : memref<40000x64xf32, #tpu.memory_space<hbm>> -> memref<40000x64xf32, #tpu.memory_space<hbm>>
      tpu.wait_indirect_dma semaphore(%arg12 : memref<!tpu.dma_semaphore, #tpu.memory_space<semaphore_mem>>) src(%dma_wait3A_27 : memref<40000x64xf32, #tpu.memory_space<hbm>>) dst(%arg10 : memref<80x64xf32, #tpu.memory_space<vmem>>)
      "tpu.region"() ({
        %run_scoped3A = tpu.sem_alloc : memref<!tpu.dma_semaphore, #tpu.memory_space<semaphore_mem>>
        %dma_start3A_43 = arith.constant 0 : i32
        %dma_start3A_44 = tpu.memref_slice %arg9[%mul3A_19, %dma_start3A_43] : memref<250x80xi32, #tpu.memory_space<vmem>> -> memref<1x80xi32, #tpu.memory_space<vmem>>
        %dma_start3A_45 = tpu.memref_squeeze %dma_start3A_44 : memref<1x80xi32, #tpu.memory_space<vmem>> -> memref<80xi32, #tpu.memory_space<vmem>>
        %dma_start3A_46 = arith.constant 0 : i32
        %dma_start3A_47 = arith.constant 0 : i32
        %dma_start3A_48 = tpu.memref_slice %arg7[%dma_start3A_46, %dma_start3A_47] : memref<20096x64xf32, #tpu.memory_space<vmem_shared>> -> memref<20096x64xf32, #tpu.memory_space<vmem_shared>>
        tpu.enqueue_indirect_dma source(%arg10 : memref<80x64xf32, #tpu.memory_space<vmem>>) target(%dma_start3A_48 : memref<20096x64xf32, #tpu.memory_space<vmem_shared>>) offsets(%dma_start3A_45 : memref<80xi32, #tpu.memory_space<vmem>>) semaphore(%run_scoped3A : memref<!tpu.dma_semaphore, #tpu.memory_space<semaphore_mem>>) {add = true}
        %dma_wait3A_49 = arith.constant 0 : i32
        %dma_wait3A_50 = tpu.memref_slice %arg9[%mul3A_19, %dma_wait3A_49] : memref<250x80xi32, #tpu.memory_space<vmem>> -> memref<1x80xi32, #tpu.memory_space<vmem>>
        %dma_wait3A_51 = tpu.memref_squeeze %dma_wait3A_50 : memref<1x80xi32, #tpu.memory_space<vmem>> -> memref<80xi32, #tpu.memory_space<vmem>>
        %dma_wait3A_52 = arith.constant 0 : i32
        %dma_wait3A_53 = arith.constant 0 : i32
        %dma_wait3A_54 = tpu.memref_slice %arg7[%dma_wait3A_52, %dma_wait3A_53] : memref<20096x64xf32, #tpu.memory_space<vmem_shared>> -> memref<20096x64xf32, #tpu.memory_space<vmem_shared>>
        tpu.wait_indirect_dma semaphore(%run_scoped3A : memref<!tpu.dma_semaphore, #tpu.memory_space<semaphore_mem>>) src(%arg10 : memref<80x64xf32, #tpu.memory_space<vmem>>) dst(%dma_wait3A_54 : memref<20096x64xf32, #tpu.memory_space<vmem_shared>>)
        tpu.yield
      }) : () -> ()
      %add3A_28 = arith.constant 1 : i32
      %add3A_29 = arith.addi %mul3A_19, %add3A_28 : i32
      %add3A_30 = arith.constant 1 : i32
      %add3A_31 = arith.addi %add3A_29, %add3A_30 : i32
      %lt3A_32 = arith.constant 250 : i32
      %lt3A_33 = arith.cmpi slt, %add3A_31, %lt3A_32 : i32
      %convert_element_type3A_34 = arith.extui %lt3A_33 : i1 to i32
      %cond3A_35 = arith.constant 0 : i32
      %cond3A_36 = arith.cmpi ne, %convert_element_type3A_34, %cond3A_35 : i32
      scf.if %cond3A_36 {
        %add3A_43 = arith.constant 1 : i32
        %add3A_44 = arith.addi %add3A_29, %add3A_43 : i32
        %dma_start3A_45 = arith.constant 0 : i32
        %dma_start3A_46 = tpu.memref_slice %arg8[%add3A_44, %dma_start3A_45] : memref<250x80xi32, #tpu.memory_space<vmem>> -> memref<1x80xi32, #tpu.memory_space<vmem>>
        %dma_start3A_47 = tpu.memref_squeeze %dma_start3A_46 : memref<1x80xi32, #tpu.memory_space<vmem>> -> memref<80xi32, #tpu.memory_space<vmem>>
        %dma_start3A_48 = arith.constant 0 : i32
        %dma_start3A_49 = arith.constant 0 : i32
        %dma_start3A_50 = tpu.memref_slice %arg2[%dma_start3A_48, %dma_start3A_49] : memref<40000x64xf32, #tpu.memory_space<hbm>> -> memref<40000x64xf32, #tpu.memory_space<hbm>>
        tpu.enqueue_indirect_dma source(%dma_start3A_50 : memref<40000x64xf32, #tpu.memory_space<hbm>>) target(%arg10 : memref<80x64xf32, #tpu.memory_space<vmem>>) offsets(%dma_start3A_47 : memref<80xi32, #tpu.memory_space<vmem>>) semaphore(%arg12 : memref<!tpu.dma_semaphore, #tpu.memory_space<semaphore_mem>>)
      } else {
      }
      %dma_wait3A_37 = arith.constant 0 : i32
      %dma_wait3A_38 = tpu.memref_slice %arg8[%add3A_29, %dma_wait3A_37] : memref<250x80xi32, #tpu.memory_space<vmem>> -> memref<1x80xi32, #tpu.memory_space<vmem>>
      %dma_wait3A_39 = tpu.memref_squeeze %dma_wait3A_38 : memref<1x80xi32, #tpu.memory_space<vmem>> -> memref<80xi32, #tpu.memory_space<vmem>>
      %dma_wait3A_40 = arith.constant 0 : i32
      %dma_wait3A_41 = arith.constant 0 : i32
      %dma_wait3A_42 = tpu.memref_slice %arg2[%dma_wait3A_40, %dma_wait3A_41] : memref<40000x64xf32, #tpu.memory_space<hbm>> -> memref<40000x64xf32, #tpu.memory_space<hbm>>
      tpu.wait_indirect_dma semaphore(%arg13 : memref<!tpu.dma_semaphore, #tpu.memory_space<semaphore_mem>>) src(%dma_wait3A_42 : memref<40000x64xf32, #tpu.memory_space<hbm>>) dst(%arg11 : memref<80x64xf32, #tpu.memory_space<vmem>>)
      "tpu.region"() ({
        %run_scoped3A = tpu.sem_alloc : memref<!tpu.dma_semaphore, #tpu.memory_space<semaphore_mem>>
        %dma_start3A_43 = arith.constant 0 : i32
        %dma_start3A_44 = tpu.memref_slice %arg9[%add3A_29, %dma_start3A_43] : memref<250x80xi32, #tpu.memory_space<vmem>> -> memref<1x80xi32, #tpu.memory_space<vmem>>
        %dma_start3A_45 = tpu.memref_squeeze %dma_start3A_44 : memref<1x80xi32, #tpu.memory_space<vmem>> -> memref<80xi32, #tpu.memory_space<vmem>>
        %dma_start3A_46 = arith.constant 0 : i32
        %dma_start3A_47 = arith.constant 0 : i32
        %dma_start3A_48 = tpu.memref_slice %arg7[%dma_start3A_46, %dma_start3A_47] : memref<20096x64xf32, #tpu.memory_space<vmem_shared>> -> memref<20096x64xf32, #tpu.memory_space<vmem_shared>>
        tpu.enqueue_indirect_dma source(%arg11 : memref<80x64xf32, #tpu.memory_space<vmem>>) target(%dma_start3A_48 : memref<20096x64xf32, #tpu.memory_space<vmem_shared>>) offsets(%dma_start3A_45 : memref<80xi32, #tpu.memory_space<vmem>>) semaphore(%run_scoped3A : memref<!tpu.dma_semaphore, #tpu.memory_space<semaphore_mem>>) {add = true}
        %dma_wait3A_49 = arith.constant 0 : i32
        %dma_wait3A_50 = tpu.memref_slice %arg9[%add3A_29, %dma_wait3A_49] : memref<250x80xi32, #tpu.memory_space<vmem>> -> memref<1x80xi32, #tpu.memory_space<vmem>>
        %dma_wait3A_51 = tpu.memref_squeeze %dma_wait3A_50 : memref<1x80xi32, #tpu.memory_space<vmem>> -> memref<80xi32, #tpu.memory_space<vmem>>
        %dma_wait3A_52 = arith.constant 0 : i32
        %dma_wait3A_53 = arith.constant 0 : i32
        %dma_wait3A_54 = tpu.memref_slice %arg7[%dma_wait3A_52, %dma_wait3A_53] : memref<20096x64xf32, #tpu.memory_space<vmem_shared>> -> memref<20096x64xf32, #tpu.memory_space<vmem_shared>>
        tpu.wait_indirect_dma semaphore(%run_scoped3A : memref<!tpu.dma_semaphore, #tpu.memory_space<semaphore_mem>>) src(%arg11 : memref<80x64xf32, #tpu.memory_space<vmem>>) dst(%dma_wait3A_54 : memref<20096x64xf32, #tpu.memory_space<vmem_shared>>)
        tpu.yield
      }) : () -> ()
    }
    %scan3A_11 = arith.constant 125 : i32
    %barrier3A_12 = arith.constant 0 : index
    tpu.barrier barrier_id(%barrier3A_12)
    %mul3A_13 = arith.constant 1256 : i32
    %mul3A_14 = arith.muli %arg1, %mul3A_13 : i32
    %mul3A_15 = arith.constant 1256 : i32
    %mul3A_16 = arith.muli %arg1, %mul3A_15 : i32
    "tpu.region"() ({
      %run_scoped3A = tpu.sem_alloc : memref<!tpu.dma_semaphore, #tpu.memory_space<semaphore_mem>>
      %dma_start3A_17 = arith.constant 0 : i32
      %dma_start3A_18 = tpu.memref_slice %arg6[%arg0, %mul3A_16, %dma_start3A_17] : memref<2x20096x64xf32, #tpu.memory_space<hbm>> -> memref<1x1256x64xf32, #tpu.memory_space<hbm>>
      %dma_start3A_19 = tpu.memref_squeeze %dma_start3A_18 : memref<1x1256x64xf32, #tpu.memory_space<hbm>> -> memref<1256x64xf32, #tpu.memory_space<hbm>>
      %dma_start3A_20 = arith.constant 0 : i32
      %dma_start3A_21 = tpu.memref_slice %arg7[%mul3A_14, %dma_start3A_20] : memref<20096x64xf32, #tpu.memory_space<vmem_shared>> -> memref<1256x64xf32, #tpu.memory_space<vmem_shared>>
      tpu.enqueue_dma source(%dma_start3A_21 : memref<1256x64xf32, #tpu.memory_space<vmem_shared>>) target(%dma_start3A_19 : memref<1256x64xf32, #tpu.memory_space<hbm>>) target_semaphore(%run_scoped3A : memref<!tpu.dma_semaphore, #tpu.memory_space<semaphore_mem>>)
      %dma_wait3A = arith.constant 0 : i32
      %dma_wait3A_22 = tpu.memref_slice %arg6[%arg0, %mul3A_16, %dma_wait3A] : memref<2x20096x64xf32, #tpu.memory_space<hbm>> -> memref<1x1256x64xf32, #tpu.memory_space<hbm>>
      %dma_wait3A_23 = tpu.memref_squeeze %dma_wait3A_22 : memref<1x1256x64xf32, #tpu.memory_space<hbm>> -> memref<1256x64xf32, #tpu.memory_space<hbm>>
      %dma_wait3A_24 = arith.constant 0 : i32
      %dma_wait3A_25 = tpu.memref_slice %arg7[%mul3A_14, %dma_wait3A_24] : memref<20096x64xf32, #tpu.memory_space<vmem_shared>> -> memref<1256x64xf32, #tpu.memory_space<vmem_shared>>
      tpu.wait_dma2 semaphore(%run_scoped3A : memref<!tpu.dma_semaphore, #tpu.memory_space<semaphore_mem>>) src(%dma_wait3A_25 : memref<1256x64xf32, #tpu.memory_space<vmem_shared>>) dst(%dma_wait3A_23 : memref<1256x64xf32, #tpu.memory_space<hbm>>)
      tpu.yield
    }) : () -> ()
    return
  }
}

#map = affine_map<(d0, d1) -> (0, 0)>
#map1 = affine_map<(d0, d1) -> (0, 0, 0, 0)>
#map2 = affine_map<(d0, d1) -> (0, 0, 0)>
module attributes {stable_mosaic.version = 14 : i64} {
  func.func @_sc_agg_body(%arg0: i32, %arg1: i32, %arg2: memref<40000x64xf32, #tpu.memory_space<hbm>>, %arg3: memref<2x16x250x80xi32, #tpu.memory_space<hbm>>, %arg4: memref<16x250x80xi32, #tpu.memory_space<hbm>>, %arg5: memref<1256x64xf32, #tpu.memory_space<hbm>>, %arg6: memref<2x20096x64xf32, #tpu.memory_space<hbm>>, %arg7: memref<20096x64xf32, #tpu.memory_space<vmem_shared>>, %arg8: memref<250x80xi32, #tpu.memory_space<vmem>>, %arg9: memref<250x80xi32, #tpu.memory_space<vmem>>, %arg10: memref<80x64xf32, #tpu.memory_space<vmem>>, %arg11: memref<80x64xf32, #tpu.memory_space<vmem>>, %arg12: memref<!tpu.dma_semaphore, #tpu.memory_space<semaphore_mem>>, %arg13: memref<!tpu.dma_semaphore, #tpu.memory_space<semaphore_mem>>) attributes {dimension_semantics = [#tpu.dimension_semantics<core_parallel>, #tpu.dimension_semantics<subcore_parallel>], iteration_bounds = array<i64: 2, 16>, scalar_prefetch = 0 : i64, scratch_operands = 7 : i64, tpu.core_type = #tpu.core_type<sc_vector_subcore>, window_params = [{transform_indices = #map}, {transform_indices = #map1}, {transform_indices = #map2}, {transform_indices = #map}, {transform_indices = #map2}]} {
    %mul3A = arith.constant 1256 : i32
    %mul3A_0 = arith.muli %arg1, %mul3A : i32
    "tpu.region"() ({
      %run_scoped3A = tpu.sem_alloc : memref<!tpu.dma_semaphore, #tpu.memory_space<semaphore_mem>>
      %dma_start3A_17 = arith.constant 0 : i32
      %dma_start3A_18 = tpu.memref_slice %arg7[%mul3A_0, %dma_start3A_17] : memref<20096x64xf32, #tpu.memory_space<vmem_shared>> -> memref<1256x64xf32, #tpu.memory_space<vmem_shared>>
      tpu.enqueue_dma source(%arg5 : memref<1256x64xf32, #tpu.memory_space<hbm>>) target(%dma_start3A_18 : memref<1256x64xf32, #tpu.memory_space<vmem_shared>>) target_semaphore(%run_scoped3A : memref<!tpu.dma_semaphore, #tpu.memory_space<semaphore_mem>>)
      %dma_wait3A = arith.constant 0 : i32
      %dma_wait3A_19 = tpu.memref_slice %arg7[%mul3A_0, %dma_wait3A] : memref<20096x64xf32, #tpu.memory_space<vmem_shared>> -> memref<1256x64xf32, #tpu.memory_space<vmem_shared>>
      tpu.wait_dma2 semaphore(%run_scoped3A : memref<!tpu.dma_semaphore, #tpu.memory_space<semaphore_mem>>) src(%arg5 : memref<1256x64xf32, #tpu.memory_space<hbm>>) dst(%dma_wait3A_19 : memref<1256x64xf32, #tpu.memory_space<vmem_shared>>)
      tpu.yield
    }) : () -> ()
    %barrier3A = arith.constant 0 : index
    tpu.barrier barrier_id(%barrier3A)
    "tpu.region"() ({
      %run_scoped3A = tpu.sem_alloc : memref<!tpu.dma_semaphore, #tpu.memory_space<semaphore_mem>>
      %dma_start3A_17 = arith.constant 0 : i32
      %dma_start3A_18 = arith.constant 0 : i32
      %dma_start3A_19 = tpu.memref_slice %arg3[%arg0, %arg1, %dma_start3A_17, %dma_start3A_18] : memref<2x16x250x80xi32, #tpu.memory_space<hbm>> -> memref<1x1x250x80xi32, #tpu.memory_space<hbm>>
      %dma_start3A_20 = tpu.memref_squeeze %dma_start3A_19 : memref<1x1x250x80xi32, #tpu.memory_space<hbm>> -> memref<250x80xi32, #tpu.memory_space<hbm>>
      %dma_start3A_21 = arith.constant 0 : i32
      %dma_start3A_22 = arith.constant 0 : i32
      %dma_start3A_23 = tpu.memref_slice %arg3[%arg0, %arg1, %dma_start3A_21, %dma_start3A_22] : memref<2x16x250x80xi32, #tpu.memory_space<hbm>> -> memref<1x1x250x80xi32, #tpu.memory_space<hbm>>
      %dma_start3A_24 = tpu.memref_squeeze %dma_start3A_23 : memref<1x1x250x80xi32, #tpu.memory_space<hbm>> -> memref<250x80xi32, #tpu.memory_space<hbm>>
      tpu.enqueue_dma source(%dma_start3A_24 : memref<250x80xi32, #tpu.memory_space<hbm>>) target(%arg8 : memref<250x80xi32, #tpu.memory_space<vmem>>) target_semaphore(%run_scoped3A : memref<!tpu.dma_semaphore, #tpu.memory_space<semaphore_mem>>)
      %dma_wait3A = arith.constant 0 : i32
      %dma_wait3A_25 = arith.constant 0 : i32
      %dma_wait3A_26 = tpu.memref_slice %arg3[%arg0, %arg1, %dma_wait3A, %dma_wait3A_25] : memref<2x16x250x80xi32, #tpu.memory_space<hbm>> -> memref<1x1x250x80xi32, #tpu.memory_space<hbm>>
      %dma_wait3A_27 = tpu.memref_squeeze %dma_wait3A_26 : memref<1x1x250x80xi32, #tpu.memory_space<hbm>> -> memref<250x80xi32, #tpu.memory_space<hbm>>
      %dma_wait3A_28 = arith.constant 0 : i32
      %dma_wait3A_29 = arith.constant 0 : i32
      %dma_wait3A_30 = tpu.memref_slice %arg3[%arg0, %arg1, %dma_wait3A_28, %dma_wait3A_29] : memref<2x16x250x80xi32, #tpu.memory_space<hbm>> -> memref<1x1x250x80xi32, #tpu.memory_space<hbm>>
      %dma_wait3A_31 = tpu.memref_squeeze %dma_wait3A_30 : memref<1x1x250x80xi32, #tpu.memory_space<hbm>> -> memref<250x80xi32, #tpu.memory_space<hbm>>
      tpu.wait_dma2 semaphore(%run_scoped3A : memref<!tpu.dma_semaphore, #tpu.memory_space<semaphore_mem>>) src(%dma_wait3A_31 : memref<250x80xi32, #tpu.memory_space<hbm>>) dst(%arg8 : memref<250x80xi32, #tpu.memory_space<vmem>>)
      tpu.yield
    }) : () -> ()
    "tpu.region"() ({
      %run_scoped3A = tpu.sem_alloc : memref<!tpu.dma_semaphore, #tpu.memory_space<semaphore_mem>>
      %dma_start3A_17 = arith.constant 0 : i32
      %dma_start3A_18 = arith.constant 0 : i32
      %dma_start3A_19 = tpu.memref_slice %arg4[%arg1, %dma_start3A_17, %dma_start3A_18] : memref<16x250x80xi32, #tpu.memory_space<hbm>> -> memref<1x250x80xi32, #tpu.memory_space<hbm>>
      %dma_start3A_20 = tpu.memref_squeeze %dma_start3A_19 : memref<1x250x80xi32, #tpu.memory_space<hbm>> -> memref<250x80xi32, #tpu.memory_space<hbm>>
      %dma_start3A_21 = arith.constant 0 : i32
      %dma_start3A_22 = arith.constant 0 : i32
      %dma_start3A_23 = tpu.memref_slice %arg4[%arg1, %dma_start3A_21, %dma_start3A_22] : memref<16x250x80xi32, #tpu.memory_space<hbm>> -> memref<1x250x80xi32, #tpu.memory_space<hbm>>
      %dma_start3A_24 = tpu.memref_squeeze %dma_start3A_23 : memref<1x250x80xi32, #tpu.memory_space<hbm>> -> memref<250x80xi32, #tpu.memory_space<hbm>>
      tpu.enqueue_dma source(%dma_start3A_24 : memref<250x80xi32, #tpu.memory_space<hbm>>) target(%arg9 : memref<250x80xi32, #tpu.memory_space<vmem>>) target_semaphore(%run_scoped3A : memref<!tpu.dma_semaphore, #tpu.memory_space<semaphore_mem>>)
      %dma_wait3A = arith.constant 0 : i32
      %dma_wait3A_25 = arith.constant 0 : i32
      %dma_wait3A_26 = tpu.memref_slice %arg4[%arg1, %dma_wait3A, %dma_wait3A_25] : memref<16x250x80xi32, #tpu.memory_space<hbm>> -> memref<1x250x80xi32, #tpu.memory_space<hbm>>
      %dma_wait3A_27 = tpu.memref_squeeze %dma_wait3A_26 : memref<1x250x80xi32, #tpu.memory_space<hbm>> -> memref<250x80xi32, #tpu.memory_space<hbm>>
      %dma_wait3A_28 = arith.constant 0 : i32
      %dma_wait3A_29 = arith.constant 0 : i32
      %dma_wait3A_30 = tpu.memref_slice %arg4[%arg1, %dma_wait3A_28, %dma_wait3A_29] : memref<16x250x80xi32, #tpu.memory_space<hbm>> -> memref<1x250x80xi32, #tpu.memory_space<hbm>>
      %dma_wait3A_31 = tpu.memref_squeeze %dma_wait3A_30 : memref<1x250x80xi32, #tpu.memory_space<hbm>> -> memref<250x80xi32, #tpu.memory_space<hbm>>
      tpu.wait_dma2 semaphore(%run_scoped3A : memref<!tpu.dma_semaphore, #tpu.memory_space<semaphore_mem>>) src(%dma_wait3A_31 : memref<250x80xi32, #tpu.memory_space<hbm>>) dst(%arg9 : memref<250x80xi32, #tpu.memory_space<vmem>>)
      tpu.yield
    }) : () -> ()
    %dma_start3A = arith.constant 0 : i32
    %dma_start3A_1 = arith.constant 0 : i32
    %dma_start3A_2 = tpu.memref_slice %arg8[%dma_start3A, %dma_start3A_1] : memref<250x80xi32, #tpu.memory_space<vmem>> -> memref<1x80xi32, #tpu.memory_space<vmem>>
    %dma_start3A_3 = tpu.memref_squeeze %dma_start3A_2 : memref<1x80xi32, #tpu.memory_space<vmem>> -> memref<80xi32, #tpu.memory_space<vmem>>
    %dma_start3A_4 = arith.constant 0 : i32
    %dma_start3A_5 = arith.constant 0 : i32
    %dma_start3A_6 = tpu.memref_slice %arg2[%dma_start3A_4, %dma_start3A_5] : memref<40000x64xf32, #tpu.memory_space<hbm>> -> memref<40000x64xf32, #tpu.memory_space<hbm>>
    tpu.enqueue_indirect_dma source(%dma_start3A_6 : memref<40000x64xf32, #tpu.memory_space<hbm>>) target(%arg10 : memref<80x64xf32, #tpu.memory_space<vmem>>) offsets(%dma_start3A_3 : memref<80xi32, #tpu.memory_space<vmem>>) semaphore(%arg12 : memref<!tpu.dma_semaphore, #tpu.memory_space<semaphore_mem>>)
    %scan3A = arith.constant 0 : i32
    %scan3A_7 = arith.constant 0 : i32
    %scan3A_8 = arith.constant 125 : i32
    %scan3A_9 = arith.addi %scan3A_7, %scan3A_8 : i32
    %scan3A_10 = arith.constant 1 : i32
    scf.for %scan3A_17 = %scan3A_7 to %scan3A_9 step %scan3A_10  : i32 {
      %mul3A_18 = arith.constant 2 : i32
      %mul3A_19 = arith.muli %mul3A_18, %scan3A_17 : i32
      %add3A = arith.constant 1 : i32
      %add3A_20 = arith.addi %mul3A_19, %add3A : i32
      %lt3A = arith.constant 250 : i32
      %lt3A_21 = arith.cmpi slt, %add3A_20, %lt3A : i32
      %convert_element_type3A = arith.extui %lt3A_21 : i1 to i32
      %cond3A = arith.constant 0 : i32
      %cond3A_22 = arith.cmpi ne, %convert_element_type3A, %cond3A : i32
      scf.if %cond3A_22 {
        %add3A_43 = arith.constant 1 : i32
        %add3A_44 = arith.addi %mul3A_19, %add3A_43 : i32
        %dma_start3A_45 = arith.constant 0 : i32
        %dma_start3A_46 = tpu.memref_slice %arg8[%add3A_44, %dma_start3A_45] : memref<250x80xi32, #tpu.memory_space<vmem>> -> memref<1x80xi32, #tpu.memory_space<vmem>>
        %dma_start3A_47 = tpu.memref_squeeze %dma_start3A_46 : memref<1x80xi32, #tpu.memory_space<vmem>> -> memref<80xi32, #tpu.memory_space<vmem>>
        %dma_start3A_48 = arith.constant 0 : i32
        %dma_start3A_49 = arith.constant 0 : i32
        %dma_start3A_50 = tpu.memref_slice %arg2[%dma_start3A_48, %dma_start3A_49] : memref<40000x64xf32, #tpu.memory_space<hbm>> -> memref<40000x64xf32, #tpu.memory_space<hbm>>
        tpu.enqueue_indirect_dma source(%dma_start3A_50 : memref<40000x64xf32, #tpu.memory_space<hbm>>) target(%arg11 : memref<80x64xf32, #tpu.memory_space<vmem>>) offsets(%dma_start3A_47 : memref<80xi32, #tpu.memory_space<vmem>>) semaphore(%arg13 : memref<!tpu.dma_semaphore, #tpu.memory_space<semaphore_mem>>)
      } else {
      }
      %dma_wait3A = arith.constant 0 : i32
      %dma_wait3A_23 = tpu.memref_slice %arg8[%mul3A_19, %dma_wait3A] : memref<250x80xi32, #tpu.memory_space<vmem>> -> memref<1x80xi32, #tpu.memory_space<vmem>>
      %dma_wait3A_24 = tpu.memref_squeeze %dma_wait3A_23 : memref<1x80xi32, #tpu.memory_space<vmem>> -> memref<80xi32, #tpu.memory_space<vmem>>
      %dma_wait3A_25 = arith.constant 0 : i32
      %dma_wait3A_26 = arith.constant 0 : i32
      %dma_wait3A_27 = tpu.memref_slice %arg2[%dma_wait3A_25, %dma_wait3A_26] : memref<40000x64xf32, #tpu.memory_space<hbm>> -> memref<40000x64xf32, #tpu.memory_space<hbm>>
      tpu.wait_indirect_dma semaphore(%arg12 : memref<!tpu.dma_semaphore, #tpu.memory_space<semaphore_mem>>) src(%dma_wait3A_27 : memref<40000x64xf32, #tpu.memory_space<hbm>>) dst(%arg10 : memref<80x64xf32, #tpu.memory_space<vmem>>)
      "tpu.region"() ({
        %run_scoped3A = tpu.sem_alloc : memref<!tpu.dma_semaphore, #tpu.memory_space<semaphore_mem>>
        %dma_start3A_43 = arith.constant 0 : i32
        %dma_start3A_44 = tpu.memref_slice %arg9[%mul3A_19, %dma_start3A_43] : memref<250x80xi32, #tpu.memory_space<vmem>> -> memref<1x80xi32, #tpu.memory_space<vmem>>
        %dma_start3A_45 = tpu.memref_squeeze %dma_start3A_44 : memref<1x80xi32, #tpu.memory_space<vmem>> -> memref<80xi32, #tpu.memory_space<vmem>>
        %dma_start3A_46 = arith.constant 0 : i32
        %dma_start3A_47 = arith.constant 0 : i32
        %dma_start3A_48 = tpu.memref_slice %arg7[%dma_start3A_46, %dma_start3A_47] : memref<20096x64xf32, #tpu.memory_space<vmem_shared>> -> memref<20096x64xf32, #tpu.memory_space<vmem_shared>>
        tpu.enqueue_indirect_dma source(%arg10 : memref<80x64xf32, #tpu.memory_space<vmem>>) target(%dma_start3A_48 : memref<20096x64xf32, #tpu.memory_space<vmem_shared>>) offsets(%dma_start3A_45 : memref<80xi32, #tpu.memory_space<vmem>>) semaphore(%run_scoped3A : memref<!tpu.dma_semaphore, #tpu.memory_space<semaphore_mem>>) {add = true}
        %dma_wait3A_49 = arith.constant 0 : i32
        %dma_wait3A_50 = tpu.memref_slice %arg9[%mul3A_19, %dma_wait3A_49] : memref<250x80xi32, #tpu.memory_space<vmem>> -> memref<1x80xi32, #tpu.memory_space<vmem>>
        %dma_wait3A_51 = tpu.memref_squeeze %dma_wait3A_50 : memref<1x80xi32, #tpu.memory_space<vmem>> -> memref<80xi32, #tpu.memory_space<vmem>>
        %dma_wait3A_52 = arith.constant 0 : i32
        %dma_wait3A_53 = arith.constant 0 : i32
        %dma_wait3A_54 = tpu.memref_slice %arg7[%dma_wait3A_52, %dma_wait3A_53] : memref<20096x64xf32, #tpu.memory_space<vmem_shared>> -> memref<20096x64xf32, #tpu.memory_space<vmem_shared>>
        tpu.wait_indirect_dma semaphore(%run_scoped3A : memref<!tpu.dma_semaphore, #tpu.memory_space<semaphore_mem>>) src(%arg10 : memref<80x64xf32, #tpu.memory_space<vmem>>) dst(%dma_wait3A_54 : memref<20096x64xf32, #tpu.memory_space<vmem_shared>>)
        tpu.yield
      }) : () -> ()
      %add3A_28 = arith.constant 1 : i32
      %add3A_29 = arith.addi %mul3A_19, %add3A_28 : i32
      %add3A_30 = arith.constant 1 : i32
      %add3A_31 = arith.addi %add3A_29, %add3A_30 : i32
      %lt3A_32 = arith.constant 250 : i32
      %lt3A_33 = arith.cmpi slt, %add3A_31, %lt3A_32 : i32
      %convert_element_type3A_34 = arith.extui %lt3A_33 : i1 to i32
      %cond3A_35 = arith.constant 0 : i32
      %cond3A_36 = arith.cmpi ne, %convert_element_type3A_34, %cond3A_35 : i32
      scf.if %cond3A_36 {
        %add3A_43 = arith.constant 1 : i32
        %add3A_44 = arith.addi %add3A_29, %add3A_43 : i32
        %dma_start3A_45 = arith.constant 0 : i32
        %dma_start3A_46 = tpu.memref_slice %arg8[%add3A_44, %dma_start3A_45] : memref<250x80xi32, #tpu.memory_space<vmem>> -> memref<1x80xi32, #tpu.memory_space<vmem>>
        %dma_start3A_47 = tpu.memref_squeeze %dma_start3A_46 : memref<1x80xi32, #tpu.memory_space<vmem>> -> memref<80xi32, #tpu.memory_space<vmem>>
        %dma_start3A_48 = arith.constant 0 : i32
        %dma_start3A_49 = arith.constant 0 : i32
        %dma_start3A_50 = tpu.memref_slice %arg2[%dma_start3A_48, %dma_start3A_49] : memref<40000x64xf32, #tpu.memory_space<hbm>> -> memref<40000x64xf32, #tpu.memory_space<hbm>>
        tpu.enqueue_indirect_dma source(%dma_start3A_50 : memref<40000x64xf32, #tpu.memory_space<hbm>>) target(%arg10 : memref<80x64xf32, #tpu.memory_space<vmem>>) offsets(%dma_start3A_47 : memref<80xi32, #tpu.memory_space<vmem>>) semaphore(%arg12 : memref<!tpu.dma_semaphore, #tpu.memory_space<semaphore_mem>>)
      } else {
      }
      %dma_wait3A_37 = arith.constant 0 : i32
      %dma_wait3A_38 = tpu.memref_slice %arg8[%add3A_29, %dma_wait3A_37] : memref<250x80xi32, #tpu.memory_space<vmem>> -> memref<1x80xi32, #tpu.memory_space<vmem>>
      %dma_wait3A_39 = tpu.memref_squeeze %dma_wait3A_38 : memref<1x80xi32, #tpu.memory_space<vmem>> -> memref<80xi32, #tpu.memory_space<vmem>>
      %dma_wait3A_40 = arith.constant 0 : i32
      %dma_wait3A_41 = arith.constant 0 : i32
      %dma_wait3A_42 = tpu.memref_slice %arg2[%dma_wait3A_40, %dma_wait3A_41] : memref<40000x64xf32, #tpu.memory_space<hbm>> -> memref<40000x64xf32, #tpu.memory_space<hbm>>
      tpu.wait_indirect_dma semaphore(%arg13 : memref<!tpu.dma_semaphore, #tpu.memory_space<semaphore_mem>>) src(%dma_wait3A_42 : memref<40000x64xf32, #tpu.memory_space<hbm>>) dst(%arg11 : memref<80x64xf32, #tpu.memory_space<vmem>>)
      "tpu.region"() ({
        %run_scoped3A = tpu.sem_alloc : memref<!tpu.dma_semaphore, #tpu.memory_space<semaphore_mem>>
        %dma_start3A_43 = arith.constant 0 : i32
        %dma_start3A_44 = tpu.memref_slice %arg9[%add3A_29, %dma_start3A_43] : memref<250x80xi32, #tpu.memory_space<vmem>> -> memref<1x80xi32, #tpu.memory_space<vmem>>
        %dma_start3A_45 = tpu.memref_squeeze %dma_start3A_44 : memref<1x80xi32, #tpu.memory_space<vmem>> -> memref<80xi32, #tpu.memory_space<vmem>>
        %dma_start3A_46 = arith.constant 0 : i32
        %dma_start3A_47 = arith.constant 0 : i32
        %dma_start3A_48 = tpu.memref_slice %arg7[%dma_start3A_46, %dma_start3A_47] : memref<20096x64xf32, #tpu.memory_space<vmem_shared>> -> memref<20096x64xf32, #tpu.memory_space<vmem_shared>>
        tpu.enqueue_indirect_dma source(%arg11 : memref<80x64xf32, #tpu.memory_space<vmem>>) target(%dma_start3A_48 : memref<20096x64xf32, #tpu.memory_space<vmem_shared>>) offsets(%dma_start3A_45 : memref<80xi32, #tpu.memory_space<vmem>>) semaphore(%run_scoped3A : memref<!tpu.dma_semaphore, #tpu.memory_space<semaphore_mem>>) {add = true}
        %dma_wait3A_49 = arith.constant 0 : i32
        %dma_wait3A_50 = tpu.memref_slice %arg9[%add3A_29, %dma_wait3A_49] : memref<250x80xi32, #tpu.memory_space<vmem>> -> memref<1x80xi32, #tpu.memory_space<vmem>>
        %dma_wait3A_51 = tpu.memref_squeeze %dma_wait3A_50 : memref<1x80xi32, #tpu.memory_space<vmem>> -> memref<80xi32, #tpu.memory_space<vmem>>
        %dma_wait3A_52 = arith.constant 0 : i32
        %dma_wait3A_53 = arith.constant 0 : i32
        %dma_wait3A_54 = tpu.memref_slice %arg7[%dma_wait3A_52, %dma_wait3A_53] : memref<20096x64xf32, #tpu.memory_space<vmem_shared>> -> memref<20096x64xf32, #tpu.memory_space<vmem_shared>>
        tpu.wait_indirect_dma semaphore(%run_scoped3A : memref<!tpu.dma_semaphore, #tpu.memory_space<semaphore_mem>>) src(%arg11 : memref<80x64xf32, #tpu.memory_space<vmem>>) dst(%dma_wait3A_54 : memref<20096x64xf32, #tpu.memory_space<vmem_shared>>)
        tpu.yield
      }) : () -> ()
    }
    %scan3A_11 = arith.constant 125 : i32
    %barrier3A_12 = arith.constant 0 : index
    tpu.barrier barrier_id(%barrier3A_12)
    %mul3A_13 = arith.constant 1256 : i32
    %mul3A_14 = arith.muli %arg1, %mul3A_13 : i32
    %mul3A_15 = arith.constant 1256 : i32
    %mul3A_16 = arith.muli %arg1, %mul3A_15 : i32
    "tpu.region"() ({
      %run_scoped3A = tpu.sem_alloc : memref<!tpu.dma_semaphore, #tpu.memory_space<semaphore_mem>>
      %dma_start3A_17 = arith.constant 0 : i32
      %dma_start3A_18 = tpu.memref_slice %arg6[%arg0, %mul3A_16, %dma_start3A_17] : memref<2x20096x64xf32, #tpu.memory_space<hbm>> -> memref<1x1256x64xf32, #tpu.memory_space<hbm>>
      %dma_start3A_19 = tpu.memref_squeeze %dma_start3A_18 : memref<1x1256x64xf32, #tpu.memory_space<hbm>> -> memref<1256x64xf32, #tpu.memory_space<hbm>>
      %dma_start3A_20 = arith.constant 0 : i32
      %dma_start3A_21 = tpu.memref_slice %arg7[%mul3A_14, %dma_start3A_20] : memref<20096x64xf32, #tpu.memory_space<vmem_shared>> -> memref<1256x64xf32, #tpu.memory_space<vmem_shared>>
      tpu.enqueue_dma source(%dma_start3A_21 : memref<1256x64xf32, #tpu.memory_space<vmem_shared>>) target(%dma_start3A_19 : memref<1256x64xf32, #tpu.memory_space<hbm>>) target_semaphore(%run_scoped3A : memref<!tpu.dma_semaphore, #tpu.memory_space<semaphore_mem>>)
      %dma_wait3A = arith.constant 0 : i32
      %dma_wait3A_22 = tpu.memref_slice %arg6[%arg0, %mul3A_16, %dma_wait3A] : memref<2x20096x64xf32, #tpu.memory_space<hbm>> -> memref<1x1256x64xf32, #tpu.memory_space<hbm>>
      %dma_wait3A_23 = tpu.memref_squeeze %dma_wait3A_22 : memref<1x1256x64xf32, #tpu.memory_space<hbm>> -> memref<1256x64xf32, #tpu.memory_space<hbm>>
      %dma_wait3A_24 = arith.constant 0 : i32
      %dma_wait3A_25 = tpu.memref_slice %arg7[%mul3A_14, %dma_wait3A_24] : memref<20096x64xf32, #tpu.memory_space<vmem_shared>> -> memref<1256x64xf32, #tpu.memory_space<vmem_shared>>
      tpu.wait_dma2 semaphore(%run_scoped3A : memref<!tpu.dma_semaphore, #tpu.memory_space<semaphore_mem>>) src(%dma_wait3A_25 : memref<1256x64xf32, #tpu.memory_space<vmem_shared>>) dst(%dma_wait3A_23 : memref<1256x64xf32, #tpu.memory_space<hbm>>)
      tpu.yield
    }) : () -> ()
    return
  }
}

module attributes {stable_mosaic.version = 14 : i64} {
  func.func @_edge_mlp_body(%arg0: i32, %arg1: memref<1000x128xf32, #tpu.memory_space<vmem>>, %arg2: memref<128x256xf32, #tpu.memory_space<vmem>>, %arg3: memref<1x256xf32, #tpu.memory_space<vmem>>, %arg4: memref<256x128xf32, #tpu.memory_space<vmem>>, %arg5: memref<1x128xf32, #tpu.memory_space<vmem>>, %arg6: memref<128x256xf32, #tpu.memory_space<vmem>>, %arg7: memref<1x256xf32, #tpu.memory_space<vmem>>, %arg8: memref<256x128xf32, #tpu.memory_space<vmem>>, %arg9: memref<1x128xf32, #tpu.memory_space<vmem>>, %arg10: memref<2x1000x128xf32, #tpu.memory_space<vmem>>) attributes {dimension_semantics = [#tpu.dimension_semantics<arbitrary>], iteration_bounds = array<i64: 10>, scalar_prefetch = 0 : i64, scratch_operands = 0 : i64, tpu.core_type = #tpu.core_type<tc>, window_params = [{transform_indices = @transform_0, window_bounds = array<i64: 1000, 128>}, {pipeline_mode = #tpu.pipeline_mode<synchronous>, transform_indices = @transform_1, window_bounds = array<i64: 128, 256>}, {pipeline_mode = #tpu.pipeline_mode<synchronous>, transform_indices = @transform_2, window_bounds = array<i64: 1, 256>}, {pipeline_mode = #tpu.pipeline_mode<synchronous>, transform_indices = @transform_3, window_bounds = array<i64: 256, 128>}, {pipeline_mode = #tpu.pipeline_mode<synchronous>, transform_indices = @transform_4, window_bounds = array<i64: 1, 128>}, {pipeline_mode = #tpu.pipeline_mode<synchronous>, transform_indices = @transform_5, window_bounds = array<i64: 128, 256>}, {pipeline_mode = #tpu.pipeline_mode<synchronous>, transform_indices = @transform_6, window_bounds = array<i64: 1, 256>}, {pipeline_mode = #tpu.pipeline_mode<synchronous>, transform_indices = @transform_7, window_bounds = array<i64: 256, 128>}, {pipeline_mode = #tpu.pipeline_mode<synchronous>, transform_indices = @transform_8, window_bounds = array<i64: 1, 128>}, {transform_indices = @transform_9, window_bounds = array<i64: 2, 1000, 128>}]} {
    %get3A = arith.constant 0 : index
    %get3A_0 = arith.constant 0 : index
    %get3A_1 = vector.load %arg1[%get3A, %get3A_0] : memref<1000x128xf32, #tpu.memory_space<vmem>>, vector<1000x128xf32>
    %get3A_2 = arith.constant 0 : index
    %get3A_3 = arith.constant 0 : index
    %get3A_4 = vector.load %arg2[%get3A_2, %get3A_3] : memref<128x256xf32, #tpu.memory_space<vmem>>, vector<128x256xf32>
    %dot_general3A = arith.constant dense<0.000000e+00> : vector<1000x256xf32>
    %dot_general3A_5 = tpu.matmul %get3A_1, %get3A_4, %dot_general3A {dimension_numbers = #tpu.dot_dimension_numbers<[1], [0], [0], [1], [0, 0, 1, 1], [], []>, transpose_lhs_hint = false} : vector<1000x128xf32>, vector<128x256xf32>, vector<1000x256xf32> -> vector<1000x256xf32>
    %get3A_6 = arith.constant 0 : index
    %get3A_7 = arith.constant 0 : index
    %get3A_8 = vector.load %arg3[%get3A_6, %get3A_7] : memref<1x256xf32, #tpu.memory_space<vmem>>, vector<1x256xf32>
    %add3A = vector.broadcast %get3A_8 : vector<1x256xf32> to vector<1000x256xf32>
    %add3A_9 = arith.addf %dot_general3A_5, %add3A : vector<1000x256xf32>
    %max3A = arith.constant 0.000000e+00 : f32
    %max3A_10 = vector.broadcast %max3A : f32 to vector<1000x256xf32>
    %max3A_11 = arith.maximumf %add3A_9, %max3A_10 : vector<1000x256xf32>
    %get3A_12 = arith.constant 0 : index
    %get3A_13 = arith.constant 0 : index
    %get3A_14 = vector.load %arg4[%get3A_12, %get3A_13] : memref<256x128xf32, #tpu.memory_space<vmem>>, vector<256x128xf32>
    %dot_general3A_15 = arith.constant dense<0.000000e+00> : vector<1000x128xf32>
    %dot_general3A_16 = tpu.matmul %max3A_11, %get3A_14, %dot_general3A_15 {dimension_numbers = #tpu.dot_dimension_numbers<[1], [0], [0], [1], [0, 0, 1, 1], [], []>, transpose_lhs_hint = false} : vector<1000x256xf32>, vector<256x128xf32>, vector<1000x128xf32> -> vector<1000x128xf32>
    %get3A_17 = arith.constant 0 : index
    %get3A_18 = arith.constant 0 : index
    %get3A_19 = vector.load %arg5[%get3A_17, %get3A_18] : memref<1x128xf32, #tpu.memory_space<vmem>>, vector<1x128xf32>
    %add3A_20 = vector.broadcast %get3A_19 : vector<1x128xf32> to vector<1000x128xf32>
    %add3A_21 = arith.addf %dot_general3A_16, %add3A_20 : vector<1000x128xf32>
    %max3A_22 = arith.constant 0.000000e+00 : f32
    %max3A_23 = vector.broadcast %max3A_22 : f32 to vector<1000x128xf32>
    %max3A_24 = arith.maximumf %add3A_21, %max3A_23 : vector<1000x128xf32>
    %swap3A = arith.constant 0 : index
    %swap3A_25 = arith.constant 0 : index
    %swap3A_26 = arith.constant 0 : index
    %swap3A_27 = vector.load %arg10[%swap3A, %swap3A_25, %swap3A_26] : memref<2x1000x128xf32, #tpu.memory_space<vmem>>, vector<1x1000x128xf32>
    %swap3A_28 = vector.shape_cast %swap3A_27 : vector<1x1000x128xf32> to vector<1000x128xf32>
    %swap3A_29 = vector.shape_cast %max3A_24 : vector<1000x128xf32> to vector<1x1000x128xf32>
    tpu.vector_store %arg10[%swap3A, %swap3A_25, %swap3A_26], %swap3A_29 {strides = array<i32>} : memref<2x1000x128xf32, #tpu.memory_space<vmem>>, vector<1x1000x128xf32>,
    %get3A_30 = arith.constant 0 : index
    %get3A_31 = arith.constant 0 : index
    %get3A_32 = vector.load %arg6[%get3A_30, %get3A_31] : memref<128x256xf32, #tpu.memory_space<vmem>>, vector<128x256xf32>
    %dot_general3A_33 = arith.constant dense<0.000000e+00> : vector<1000x256xf32>
    %dot_general3A_34 = tpu.matmul %get3A_1, %get3A_32, %dot_general3A_33 {dimension_numbers = #tpu.dot_dimension_numbers<[1], [0], [0], [1], [0, 0, 1, 1], [], []>, transpose_lhs_hint = false} : vector<1000x128xf32>, vector<128x256xf32>, vector<1000x256xf32> -> vector<1000x256xf32>
    %get3A_35 = arith.constant 0 : index
    %get3A_36 = arith.constant 0 : index
    %get3A_37 = vector.load %arg7[%get3A_35, %get3A_36] : memref<1x256xf32, #tpu.memory_space<vmem>>, vector<1x256xf32>
    %add3A_38 = vector.broadcast %get3A_37 : vector<1x256xf32> to vector<1000x256xf32>
    %add3A_39 = arith.addf %dot_general3A_34, %add3A_38 : vector<1000x256xf32>
    %max3A_40 = arith.constant 0.000000e+00 : f32
    %max3A_41 = vector.broadcast %max3A_40 : f32 to vector<1000x256xf32>
    %max3A_42 = arith.maximumf %add3A_39, %max3A_41 : vector<1000x256xf32>
    %get3A_43 = arith.constant 0 : index
    %get3A_44 = arith.constant 0 : index
    %get3A_45 = vector.load %arg8[%get3A_43, %get3A_44] : memref<256x128xf32, #tpu.memory_space<vmem>>, vector<256x128xf32>
    %dot_general3A_46 = arith.constant dense<0.000000e+00> : vector<1000x128xf32>
    %dot_general3A_47 = tpu.matmul %max3A_42, %get3A_45, %dot_general3A_46 {dimension_numbers = #tpu.dot_dimension_numbers<[1], [0], [0], [1], [0, 0, 1, 1], [], []>, transpose_lhs_hint = false} : vector<1000x256xf32>, vector<256x128xf32>, vector<1000x128xf32> -> vector<1000x128xf32>
    %get3A_48 = arith.constant 0 : index
    %get3A_49 = arith.constant 0 : index
    %get3A_50 = vector.load %arg9[%get3A_48, %get3A_49] : memref<1x128xf32, #tpu.memory_space<vmem>>, vector<1x128xf32>
    %add3A_51 = vector.broadcast %get3A_50 : vector<1x128xf32> to vector<1000x128xf32>
    %add3A_52 = arith.addf %dot_general3A_47, %add3A_51 : vector<1000x128xf32>
    %max3A_53 = arith.constant 0.000000e+00 : f32
    %max3A_54 = vector.broadcast %max3A_53 : f32 to vector<1000x128xf32>
    %max3A_55 = arith.maximumf %add3A_52, %max3A_54 : vector<1000x128xf32>
    %swap3A_56 = arith.constant 1 : index
    %swap3A_57 = arith.constant 0 : index
    %swap3A_58 = arith.constant 0 : index
    %swap3A_59 = vector.load %arg10[%swap3A_56, %swap3A_57, %swap3A_58] : memref<2x1000x128xf32, #tpu.memory_space<vmem>>, vector<1x1000x128xf32>
    %swap3A_60 = vector.shape_cast %swap3A_59 : vector<1x1000x128xf32> to vector<1000x128xf32>
    %swap3A_61 = vector.shape_cast %max3A_55 : vector<1000x128xf32> to vector<1x1000x128xf32>
    tpu.vector_store %arg10[%swap3A_56, %swap3A_57, %swap3A_58], %swap3A_61 {strides = array<i32>} : memref<2x1000x128xf32, #tpu.memory_space<vmem>>, vector<1x1000x128xf32>,
    return
  }
  func.func @transform_0(%arg0: i32) -> (i32, i32) {
    %c0_i32 = arith.constant 0 : i32
    %c0_i32_0 = arith.constant 0 : i32
    return %arg0, %c0_i32 : i32, i32
  }
  func.func @transform_1(%arg0: i32) -> (i32, i32) {
    %c0_i32 = arith.constant 0 : i32
    %c0_i32_0 = arith.constant 0 : i32
    %c0_i32_1 = arith.constant 0 : i32
    return %c0_i32, %c0_i32_0 : i32, i32
  }
  func.func @transform_2(%arg0: i32) -> (i32, i32) {
    %c0_i32 = arith.constant 0 : i32
    %c0_i32_0 = arith.constant 0 : i32
    %c0_i32_1 = arith.constant 0 : i32
    return %c0_i32, %c0_i32_0 : i32, i32
  }
  func.func @transform_3(%arg0: i32) -> (i32, i32) {
    %c0_i32 = arith.constant 0 : i32
    %c0_i32_0 = arith.constant 0 : i32
    %c0_i32_1 = arith.constant 0 : i32
    return %c0_i32, %c0_i32_0 : i32, i32
  }
  func.func @transform_4(%arg0: i32) -> (i32, i32) {
    %c0_i32 = arith.constant 0 : i32
    %c0_i32_0 = arith.constant 0 : i32
    %c0_i32_1 = arith.constant 0 : i32
    return %c0_i32, %c0_i32_0 : i32, i32
  }
  func.func @transform_5(%arg0: i32) -> (i32, i32) {
    %c0_i32 = arith.constant 0 : i32
    %c0_i32_0 = arith.constant 0 : i32
    %c0_i32_1 = arith.constant 0 : i32
    return %c0_i32, %c0_i32_0 : i32, i32
  }
  func.func @transform_6(%arg0: i32) -> (i32, i32) {
    %c0_i32 = arith.constant 0 : i32
    %c0_i32_0 = arith.constant 0 : i32
    %c0_i32_1 = arith.constant 0 : i32
    return %c0_i32, %c0_i32_0 : i32, i32
  }
  func.func @transform_7(%arg0: i32) -> (i32, i32) {
    %c0_i32 = arith.constant 0 : i32
    %c0_i32_0 = arith.constant 0 : i32
    %c0_i32_1 = arith.constant 0 : i32
    return %c0_i32, %c0_i32_0 : i32, i32
  }
  func.func @transform_8(%arg0: i32) -> (i32, i32) {
    %c0_i32 = arith.constant 0 : i32
    %c0_i32_0 = arith.constant 0 : i32
    %c0_i32_1 = arith.constant 0 : i32
    return %c0_i32, %c0_i32_0 : i32, i32
  }
  func.func @transform_9(%arg0: i32) -> (i32, i32, i32) {
    %c0_i32 = arith.constant 0 : i32
    %c0_i32_0 = arith.constant 0 : i32
    %c0_i32_1 = arith.constant 0 : i32
    return %c0_i32, %arg0, %c0_i32_0 : i32, i32, i32
  }
}

module attributes {stable_mosaic.version = 14 : i64} {
  func.func @_fused_body(%arg0: i32, %arg1: memref<1000x128xf32, #tpu.memory_space<vmem>>, %arg2: memref<1x1000x64xf32, #tpu.memory_space<vmem>>, %arg3: memref<1x1000x64xf32, #tpu.memory_space<vmem>>, %arg4: memref<1x1000x64xf32, #tpu.memory_space<vmem>>, %arg5: memref<1x1000x64xf32, #tpu.memory_space<vmem>>, %arg6: memref<384x256xf32, #tpu.memory_space<vmem>>, %arg7: memref<1x256xf32, #tpu.memory_space<vmem>>, %arg8: memref<256x128xf32, #tpu.memory_space<vmem>>, %arg9: memref<1x128xf32, #tpu.memory_space<vmem>>, %arg10: memref<128x256xf32, #tpu.memory_space<vmem>>, %arg11: memref<1x256xf32, #tpu.memory_space<vmem>>, %arg12: memref<256x128xf32, #tpu.memory_space<vmem>>, %arg13: memref<1x128xf32, #tpu.memory_space<vmem>>, %arg14: memref<128x256xf32, #tpu.memory_space<vmem>>, %arg15: memref<1x256xf32, #tpu.memory_space<vmem>>, %arg16: memref<256x128xf32, #tpu.memory_space<vmem>>, %arg17: memref<1x128xf32, #tpu.memory_space<vmem>>, %arg18: memref<1000x128xf32, #tpu.memory_space<vmem>>, %arg19: memref<2x1000x128xf32, #tpu.memory_space<vmem>>) attributes {dimension_semantics = [#tpu.dimension_semantics<arbitrary>], iteration_bounds = array<i64: 10>, scalar_prefetch = 0 : i64, scratch_operands = 0 : i64, tpu.core_type = #tpu.core_type<tc>, window_params = [{transform_indices = @transform_0, window_bounds = array<i64: 1000, 128>}, {transform_indices = @transform_1, window_bounds = array<i64: 1, 1000, 64>}, {transform_indices = @transform_2, window_bounds = array<i64: 1, 1000, 64>}, {transform_indices = @transform_3, window_bounds = array<i64: 1, 1000, 64>}, {transform_indices = @transform_4, window_bounds = array<i64: 1, 1000, 64>}, {pipeline_mode = #tpu.pipeline_mode<synchronous>, transform_indices = @transform_5, window_bounds = array<i64: 384, 256>}, {pipeline_mode = #tpu.pipeline_mode<synchronous>, transform_indices = @transform_6, window_bounds = array<i64: 1, 256>}, {pipeline_mode = #tpu.pipeline_mode<synchronous>, transform_indices = @transform_7, window_bounds = array<i64: 256, 128>}, {pipeline_mode = #tpu.pipeline_mode<synchronous>, transform_indices = @transform_8, window_bounds = array<i64: 1, 128>}, {pipeline_mode = #tpu.pipeline_mode<synchronous>, transform_indices = @transform_9, window_bounds = array<i64: 128, 256>}, {pipeline_mode = #tpu.pipeline_mode<synchronous>, transform_indices = @transform_10, window_bounds = array<i64: 1, 256>}, {pipeline_mode = #tpu.pipeline_mode<synchronous>, transform_indices = @transform_11, window_bounds = array<i64: 256, 128>}, {pipeline_mode = #tpu.pipeline_mode<synchronous>, transform_indices = @transform_12, window_bounds = array<i64: 1, 128>}, {pipeline_mode = #tpu.pipeline_mode<synchronous>, transform_indices = @transform_13, window_bounds = array<i64: 128, 256>}, {pipeline_mode = #tpu.pipeline_mode<synchronous>, transform_indices = @transform_14, window_bounds = array<i64: 1, 256>}, {pipeline_mode = #tpu.pipeline_mode<synchronous>, transform_indices = @transform_15, window_bounds = array<i64: 256, 128>}, {pipeline_mode = #tpu.pipeline_mode<synchronous>, transform_indices = @transform_16, window_bounds = array<i64: 1, 128>}, {transform_indices = @transform_17, window_bounds = array<i64: 1000, 128>}, {transform_indices = @transform_18, window_bounds = array<i64: 2, 1000, 128>}]} {
    %get3A = arith.constant 0 : index
    %get3A_0 = arith.constant 0 : index
    %get3A_1 = vector.load %arg1[%get3A, %get3A_0] : memref<1000x128xf32, #tpu.memory_space<vmem>>, vector<1000x128xf32>
    %max3A = arith.constant 0.000000e+00 : f32
    %max3A_2 = vector.broadcast %max3A : f32 to vector<1000x128xf32>
    %max3A_3 = arith.maximumf %get3A_1, %max3A_2 : vector<1000x128xf32>
    %get3A_4 = arith.constant 0 : index
    %get3A_5 = arith.constant 0 : index
    %get3A_6 = vector.load %arg6[%get3A_4, %get3A_5] : memref<384x256xf32, #tpu.memory_space<vmem>>, vector<128x256xf32>
    %dot_general3A = arith.constant dense<0.000000e+00> : vector<1000x256xf32>
    %dot_general3A_7 = tpu.matmul %max3A_3, %get3A_6, %dot_general3A {dimension_numbers = #tpu.dot_dimension_numbers<[1], [0], [0], [1], [0, 0, 1, 1], [], []>, transpose_lhs_hint = false} : vector<1000x128xf32>, vector<128x256xf32>, vector<1000x256xf32> -> vector<1000x256xf32>
    %get3A_8 = arith.constant 0 : index
    %get3A_9 = arith.constant 0 : index
    %get3A_10 = arith.constant 0 : index
    %get3A_11 = vector.load %arg2[%get3A_8, %get3A_9, %get3A_10] : memref<1x1000x64xf32, #tpu.memory_space<vmem>>, vector<1x1000x64xf32>
    %get3A_12 = vector.shape_cast %get3A_11 : vector<1x1000x64xf32> to vector<1000x64xf32>
    %get3A_13 = arith.constant 128 : index
    %get3A_14 = arith.constant 0 : index
    %get3A_15 = vector.load %arg6[%get3A_13, %get3A_14] : memref<384x256xf32, #tpu.memory_space<vmem>>, vector<64x256xf32>
    %dot_general3A_16 = arith.constant dense<0.000000e+00> : vector<1000x256xf32>
    %dot_general3A_17 = tpu.matmul %get3A_12, %get3A_15, %dot_general3A_16 {dimension_numbers = #tpu.dot_dimension_numbers<[1], [0], [0], [1], [0, 0, 1, 1], [], []>, transpose_lhs_hint = false} : vector<1000x64xf32>, vector<64x256xf32>, vector<1000x256xf32> -> vector<1000x256xf32>
    %add3A = arith.addf %dot_general3A_7, %dot_general3A_17 : vector<1000x256xf32>
    %get3A_18 = arith.constant 0 : index
    %get3A_19 = arith.constant 0 : index
    %get3A_20 = arith.constant 0 : index
    %get3A_21 = vector.load %arg3[%get3A_18, %get3A_19, %get3A_20] : memref<1x1000x64xf32, #tpu.memory_space<vmem>>, vector<1x1000x64xf32>
    %get3A_22 = vector.shape_cast %get3A_21 : vector<1x1000x64xf32> to vector<1000x64xf32>
    %get3A_23 = arith.constant 192 : index
    %get3A_24 = arith.constant 0 : index
    %get3A_25 = vector.load %arg6[%get3A_23, %get3A_24] : memref<384x256xf32, #tpu.memory_space<vmem>>, vector<64x256xf32>
    %dot_general3A_26 = arith.constant dense<0.000000e+00> : vector<1000x256xf32>
    %dot_general3A_27 = tpu.matmul %get3A_22, %get3A_25, %dot_general3A_26 {dimension_numbers = #tpu.dot_dimension_numbers<[1], [0], [0], [1], [0, 0, 1, 1], [], []>, transpose_lhs_hint = false} : vector<1000x64xf32>, vector<64x256xf32>, vector<1000x256xf32> -> vector<1000x256xf32>
    %add3A_28 = arith.addf %add3A, %dot_general3A_27 : vector<1000x256xf32>
    %get3A_29 = arith.constant 0 : index
    %get3A_30 = arith.constant 0 : index
    %get3A_31 = arith.constant 0 : index
    %get3A_32 = vector.load %arg4[%get3A_29, %get3A_30, %get3A_31] : memref<1x1000x64xf32, #tpu.memory_space<vmem>>, vector<1x1000x64xf32>
    %get3A_33 = vector.shape_cast %get3A_32 : vector<1x1000x64xf32> to vector<1000x64xf32>
    %get3A_34 = arith.constant 256 : index
    %get3A_35 = arith.constant 0 : index
    %get3A_36 = vector.load %arg6[%get3A_34, %get3A_35] : memref<384x256xf32, #tpu.memory_space<vmem>>, vector<64x256xf32>
    %dot_general3A_37 = arith.constant dense<0.000000e+00> : vector<1000x256xf32>
    %dot_general3A_38 = tpu.matmul %get3A_33, %get3A_36, %dot_general3A_37 {dimension_numbers = #tpu.dot_dimension_numbers<[1], [0], [0], [1], [0, 0, 1, 1], [], []>, transpose_lhs_hint = false} : vector<1000x64xf32>, vector<64x256xf32>, vector<1000x256xf32> -> vector<1000x256xf32>
    %add3A_39 = arith.addf %add3A_28, %dot_general3A_38 : vector<1000x256xf32>
    %get3A_40 = arith.constant 0 : index
    %get3A_41 = arith.constant 0 : index
    %get3A_42 = arith.constant 0 : index
    %get3A_43 = vector.load %arg5[%get3A_40, %get3A_41, %get3A_42] : memref<1x1000x64xf32, #tpu.memory_space<vmem>>, vector<1x1000x64xf32>
    %get3A_44 = vector.shape_cast %get3A_43 : vector<1x1000x64xf32> to vector<1000x64xf32>
    %get3A_45 = arith.constant 320 : index
    %get3A_46 = arith.constant 0 : index
    %get3A_47 = vector.load %arg6[%get3A_45, %get3A_46] : memref<384x256xf32, #tpu.memory_space<vmem>>, vector<64x256xf32>
    %dot_general3A_48 = arith.constant dense<0.000000e+00> : vector<1000x256xf32>
    %dot_general3A_49 = tpu.matmul %get3A_44, %get3A_47, %dot_general3A_48 {dimension_numbers = #tpu.dot_dimension_numbers<[1], [0], [0], [1], [0, 0, 1, 1], [], []>, transpose_lhs_hint = false} : vector<1000x64xf32>, vector<64x256xf32>, vector<1000x256xf32> -> vector<1000x256xf32>
    %add3A_50 = arith.addf %add3A_39, %dot_general3A_49 : vector<1000x256xf32>
    %get3A_51 = arith.constant 0 : index
    %get3A_52 = arith.constant 0 : index
    %get3A_53 = vector.load %arg7[%get3A_51, %get3A_52] : memref<1x256xf32, #tpu.memory_space<vmem>>, vector<1x256xf32>
    %add3A_54 = vector.broadcast %get3A_53 : vector<1x256xf32> to vector<1000x256xf32>
    %add3A_55 = arith.addf %add3A_50, %add3A_54 : vector<1000x256xf32>
    %max3A_56 = arith.constant 0.000000e+00 : f32
    %max3A_57 = vector.broadcast %max3A_56 : f32 to vector<1000x256xf32>
    %max3A_58 = arith.maximumf %add3A_55, %max3A_57 : vector<1000x256xf32>
    %get3A_59 = arith.constant 0 : index
    %get3A_60 = arith.constant 0 : index
    %get3A_61 = vector.load %arg8[%get3A_59, %get3A_60] : memref<256x128xf32, #tpu.memory_space<vmem>>, vector<256x128xf32>
    %dot_general3A_62 = arith.constant dense<0.000000e+00> : vector<1000x128xf32>
    %dot_general3A_63 = tpu.matmul %max3A_58, %get3A_61, %dot_general3A_62 {dimension_numbers = #tpu.dot_dimension_numbers<[1], [0], [0], [1], [0, 0, 1, 1], [], []>, transpose_lhs_hint = false} : vector<1000x256xf32>, vector<256x128xf32>, vector<1000x128xf32> -> vector<1000x128xf32>
    %get3A_64 = arith.constant 0 : index
    %get3A_65 = arith.constant 0 : index
    %get3A_66 = vector.load %arg9[%get3A_64, %get3A_65] : memref<1x128xf32, #tpu.memory_space<vmem>>, vector<1x128xf32>
    %add3A_67 = vector.broadcast %get3A_66 : vector<1x128xf32> to vector<1000x128xf32>
    %add3A_68 = arith.addf %dot_general3A_63, %add3A_67 : vector<1000x128xf32>
    %swap3A = arith.constant 0 : index
    %swap3A_69 = arith.constant 0 : index
    %swap3A_70 = vector.load %arg18[%swap3A, %swap3A_69] : memref<1000x128xf32, #tpu.memory_space<vmem>>, vector<1000x128xf32>
    tpu.vector_store %arg18[%swap3A, %swap3A_69], %add3A_68 {strides = array<i32>} : memref<1000x128xf32, #tpu.memory_space<vmem>>, vector<1000x128xf32>,
    %get3A_71 = arith.constant 0 : index
    %get3A_72 = arith.constant 0 : index
    %get3A_73 = vector.load %arg10[%get3A_71, %get3A_72] : memref<128x256xf32, #tpu.memory_space<vmem>>, vector<128x256xf32>
    %dot_general3A_74 = arith.constant dense<0.000000e+00> : vector<1000x256xf32>
    %dot_general3A_75 = tpu.matmul %add3A_68, %get3A_73, %dot_general3A_74 {dimension_numbers = #tpu.dot_dimension_numbers<[1], [0], [0], [1], [0, 0, 1, 1], [], []>, transpose_lhs_hint = false} : vector<1000x128xf32>, vector<128x256xf32>, vector<1000x256xf32> -> vector<1000x256xf32>
    %get3A_76 = arith.constant 0 : index
    %get3A_77 = arith.constant 0 : index
    %get3A_78 = vector.load %arg11[%get3A_76, %get3A_77] : memref<1x256xf32, #tpu.memory_space<vmem>>, vector<1x256xf32>
    %add3A_79 = vector.broadcast %get3A_78 : vector<1x256xf32> to vector<1000x256xf32>
    %add3A_80 = arith.addf %dot_general3A_75, %add3A_79 : vector<1000x256xf32>
    %max3A_81 = arith.constant 0.000000e+00 : f32
    %max3A_82 = vector.broadcast %max3A_81 : f32 to vector<1000x256xf32>
    %max3A_83 = arith.maximumf %add3A_80, %max3A_82 : vector<1000x256xf32>
    %get3A_84 = arith.constant 0 : index
    %get3A_85 = arith.constant 0 : index
    %get3A_86 = vector.load %arg12[%get3A_84, %get3A_85] : memref<256x128xf32, #tpu.memory_space<vmem>>, vector<256x128xf32>
    %dot_general3A_87 = arith.constant dense<0.000000e+00> : vector<1000x128xf32>
    %dot_general3A_88 = tpu.matmul %max3A_83, %get3A_86, %dot_general3A_87 {dimension_numbers = #tpu.dot_dimension_numbers<[1], [0], [0], [1], [0, 0, 1, 1], [], []>, transpose_lhs_hint = false} : vector<1000x256xf32>, vector<256x128xf32>, vector<1000x128xf32> -> vector<1000x128xf32>
    %get3A_89 = arith.constant 0 : index
    %get3A_90 = arith.constant 0 : index
    %get3A_91 = vector.load %arg13[%get3A_89, %get3A_90] : memref<1x128xf32, #tpu.memory_space<vmem>>, vector<1x128xf32>
    %add3A_92 = vector.broadcast %get3A_91 : vector<1x128xf32> to vector<1000x128xf32>
    %add3A_93 = arith.addf %dot_general3A_88, %add3A_92 : vector<1000x128xf32>
    %max3A_94 = arith.constant 0.000000e+00 : f32
    %max3A_95 = vector.broadcast %max3A_94 : f32 to vector<1000x128xf32>
    %max3A_96 = arith.maximumf %add3A_93, %max3A_95 : vector<1000x128xf32>
    %swap3A_97 = arith.constant 0 : index
    %swap3A_98 = arith.constant 0 : index
    %swap3A_99 = arith.constant 0 : index
    %swap3A_100 = vector.load %arg19[%swap3A_97, %swap3A_98, %swap3A_99] : memref<2x1000x128xf32, #tpu.memory_space<vmem>>, vector<1x1000x128xf32>
    %swap3A_101 = vector.shape_cast %swap3A_100 : vector<1x1000x128xf32> to vector<1000x128xf32>
    %swap3A_102 = vector.shape_cast %max3A_96 : vector<1000x128xf32> to vector<1x1000x128xf32>
    tpu.vector_store %arg19[%swap3A_97, %swap3A_98, %swap3A_99], %swap3A_102 {strides = array<i32>} : memref<2x1000x128xf32, #tpu.memory_space<vmem>>, vector<1x1000x128xf32>,
    %get3A_103 = arith.constant 0 : index
    %get3A_104 = arith.constant 0 : index
    %get3A_105 = vector.load %arg14[%get3A_103, %get3A_104] : memref<128x256xf32, #tpu.memory_space<vmem>>, vector<128x256xf32>
    %dot_general3A_106 = arith.constant dense<0.000000e+00> : vector<1000x256xf32>
    %dot_general3A_107 = tpu.matmul %add3A_68, %get3A_105, %dot_general3A_106 {dimension_numbers = #tpu.dot_dimension_numbers<[1], [0], [0], [1], [0, 0, 1, 1], [], []>, transpose_lhs_hint = false} : vector<1000x128xf32>, vector<128x256xf32>, vector<1000x256xf32> -> vector<1000x256xf32>
    %get3A_108 = arith.constant 0 : index
    %get3A_109 = arith.constant 0 : index
    %get3A_110 = vector.load %arg15[%get3A_108, %get3A_109] : memref<1x256xf32, #tpu.memory_space<vmem>>, vector<1x256xf32>
    %add3A_111 = vector.broadcast %get3A_110 : vector<1x256xf32> to vector<1000x256xf32>
    %add3A_112 = arith.addf %dot_general3A_107, %add3A_111 : vector<1000x256xf32>
    %max3A_113 = arith.constant 0.000000e+00 : f32
    %max3A_114 = vector.broadcast %max3A_113 : f32 to vector<1000x256xf32>
    %max3A_115 = arith.maximumf %add3A_112, %max3A_114 : vector<1000x256xf32>
    %get3A_116 = arith.constant 0 : index
    %get3A_117 = arith.constant 0 : index
    %get3A_118 = vector.load %arg16[%get3A_116, %get3A_117] : memref<256x128xf32, #tpu.memory_space<vmem>>, vector<256x128xf32>
    %dot_general3A_119 = arith.constant dense<0.000000e+00> : vector<1000x128xf32>
    %dot_general3A_120 = tpu.matmul %max3A_115, %get3A_118, %dot_general3A_119 {dimension_numbers = #tpu.dot_dimension_numbers<[1], [0], [0], [1], [0, 0, 1, 1], [], []>, transpose_lhs_hint = false} : vector<1000x256xf32>, vector<256x128xf32>, vector<1000x128xf32> -> vector<1000x128xf32>
    %get3A_121 = arith.constant 0 : index
    %get3A_122 = arith.constant 0 : index
    %get3A_123 = vector.load %arg17[%get3A_121, %get3A_122] : memref<1x128xf32, #tpu.memory_space<vmem>>, vector<1x128xf32>
    %add3A_124 = vector.broadcast %get3A_123 : vector<1x128xf32> to vector<1000x128xf32>
    %add3A_125 = arith.addf %dot_general3A_120, %add3A_124 : vector<1000x128xf32>
    %max3A_126 = arith.constant 0.000000e+00 : f32
    %max3A_127 = vector.broadcast %max3A_126 : f32 to vector<1000x128xf32>
    %max3A_128 = arith.maximumf %add3A_125, %max3A_127 : vector<1000x128xf32>
    %swap3A_129 = arith.constant 1 : index
    %swap3A_130 = arith.constant 0 : index
    %swap3A_131 = arith.constant 0 : index
    %swap3A_132 = vector.load %arg19[%swap3A_129, %swap3A_130, %swap3A_131] : memref<2x1000x128xf32, #tpu.memory_space<vmem>>, vector<1x1000x128xf32>
    %swap3A_133 = vector.shape_cast %swap3A_132 : vector<1x1000x128xf32> to vector<1000x128xf32>
    %swap3A_134 = vector.shape_cast %max3A_128 : vector<1000x128xf32> to vector<1x1000x128xf32>
    tpu.vector_store %arg19[%swap3A_129, %swap3A_130, %swap3A_131], %swap3A_134 {strides = array<i32>} : memref<2x1000x128xf32, #tpu.memory_space<vmem>>, vector<1x1000x128xf32>,
    return
  }
  func.func @transform_0(%arg0: i32) -> (i32, i32) {
    %c0_i32 = arith.constant 0 : i32
    %c0_i32_0 = arith.constant 0 : i32
    return %arg0, %c0_i32 : i32, i32
  }
  func.func @transform_1(%arg0: i32) -> (i32, i32, i32) {
    %c0_i32 = arith.constant 0 : i32
    %c0_i32_0 = arith.constant 0 : i32
    %c0_i32_1 = arith.constant 0 : i32
    return %c0_i32, %arg0, %c0_i32_0 : i32, i32, i32
  }
  func.func @transform_2(%arg0: i32) -> (i32, i32, i32) {
    %c1_i32 = arith.constant 1 : i32
    %c0_i32 = arith.constant 0 : i32
    %c0_i32_0 = arith.constant 0 : i32
    return %c1_i32, %arg0, %c0_i32 : i32, i32, i32
  }
  func.func @transform_3(%arg0: i32) -> (i32, i32, i32) {
    %add3A = arith.constant 10 : i32
    %add3A_0 = arith.addi %add3A, %arg0 : i32
    %c0_i32 = arith.constant 0 : i32
    %c0_i32_1 = arith.constant 0 : i32
    %c0_i32_2 = arith.constant 0 : i32
    return %c0_i32, %add3A_0, %c0_i32_1 : i32, i32, i32
  }
  func.func @transform_4(%arg0: i32) -> (i32, i32, i32) {
    %add3A = arith.constant 10 : i32
    %add3A_0 = arith.addi %add3A, %arg0 : i32
    %c1_i32 = arith.constant 1 : i32
    %c0_i32 = arith.constant 0 : i32
    %c0_i32_1 = arith.constant 0 : i32
    return %c1_i32, %add3A_0, %c0_i32 : i32, i32, i32
  }
  func.func @transform_5(%arg0: i32) -> (i32, i32) {
    %c0_i32 = arith.constant 0 : i32
    %c0_i32_0 = arith.constant 0 : i32
    %c0_i32_1 = arith.constant 0 : i32
    return %c0_i32, %c0_i32_0 : i32, i32
  }
  func.func @transform_6(%arg0: i32) -> (i32, i32) {
    %c0_i32 = arith.constant 0 : i32
    %c0_i32_0 = arith.constant 0 : i32
    %c0_i32_1 = arith.constant 0 : i32
    return %c0_i32, %c0_i32_0 : i32, i32
  }
  func.func @transform_7(%arg0: i32) -> (i32, i32) {
    %c0_i32 = arith.constant 0 : i32
    %c0_i32_0 = arith.constant 0 : i32
    %c0_i32_1 = arith.constant 0 : i32
    return %c0_i32, %c0_i32_0 : i32, i32
  }
  func.func @transform_8(%arg0: i32) -> (i32, i32) {
    %c0_i32 = arith.constant 0 : i32
    %c0_i32_0 = arith.constant 0 : i32
    %c0_i32_1 = arith.constant 0 : i32
    return %c0_i32, %c0_i32_0 : i32, i32
  }
  func.func @transform_9(%arg0: i32) -> (i32, i32) {
    %c0_i32 = arith.constant 0 : i32
    %c0_i32_0 = arith.constant 0 : i32
    %c0_i32_1 = arith.constant 0 : i32
    return %c0_i32, %c0_i32_0 : i32, i32
  }
  func.func @transform_10(%arg0: i32) -> (i32, i32) {
    %c0_i32 = arith.constant 0 : i32
    %c0_i32_0 = arith.constant 0 : i32
    %c0_i32_1 = arith.constant 0 : i32
    return %c0_i32, %c0_i32_0 : i32, i32
  }
  func.func @transform_11(%arg0: i32) -> (i32, i32) {
    %c0_i32 = arith.constant 0 : i32
    %c0_i32_0 = arith.constant 0 : i32
    %c0_i32_1 = arith.constant 0 : i32
    return %c0_i32, %c0_i32_0 : i32, i32
  }
  func.func @transform_12(%arg0: i32) -> (i32, i32) {
    %c0_i32 = arith.constant 0 : i32
    %c0_i32_0 = arith.constant 0 : i32
    %c0_i32_1 = arith.constant 0 : i32
    return %c0_i32, %c0_i32_0 : i32, i32
  }
  func.func @transform_13(%arg0: i32) -> (i32, i32) {
    %c0_i32 = arith.constant 0 : i32
    %c0_i32_0 = arith.constant 0 : i32
    %c0_i32_1 = arith.constant 0 : i32
    return %c0_i32, %c0_i32_0 : i32, i32
  }
  func.func @transform_14(%arg0: i32) -> (i32, i32) {
    %c0_i32 = arith.constant 0 : i32
    %c0_i32_0 = arith.constant 0 : i32
    %c0_i32_1 = arith.constant 0 : i32
    return %c0_i32, %c0_i32_0 : i32, i32
  }
  func.func @transform_15(%arg0: i32) -> (i32, i32) {
    %c0_i32 = arith.constant 0 : i32
    %c0_i32_0 = arith.constant 0 : i32
    %c0_i32_1 = arith.constant 0 : i32
    return %c0_i32, %c0_i32_0 : i32, i32
  }
  func.func @transform_16(%arg0: i32) -> (i32, i32) {
    %c0_i32 = arith.constant 0 : i32
    %c0_i32_0 = arith.constant 0 : i32
    %c0_i32_1 = arith.constant 0 : i32
    return %c0_i32, %c0_i32_0 : i32, i32
  }
  func.func @transform_17(%arg0: i32) -> (i32, i32) {
    %c0_i32 = arith.constant 0 : i32
    %c0_i32_0 = arith.constant 0 : i32
    return %arg0, %c0_i32 : i32, i32
  }
  func.func @transform_18(%arg0: i32) -> (i32, i32, i32) {
    %c0_i32 = arith.constant 0 : i32
    %c0_i32_0 = arith.constant 0 : i32
    %c0_i32_1 = arith.constant 0 : i32
    return %c0_i32, %arg0, %c0_i32_0 : i32, i32, i32
  }
}

module attributes {stable_mosaic.version = 14 : i64} {
  func.func @_node_mlp_body(%arg0: i32, %arg1: memref<1000x128xf32, #tpu.memory_space<vmem>>, %arg2: memref<1x1000x64xf32, #tpu.memory_space<vmem>>, %arg3: memref<1x1000x64xf32, #tpu.memory_space<vmem>>, %arg4: memref<1x1000x64xf32, #tpu.memory_space<vmem>>, %arg5: memref<1x1000x64xf32, #tpu.memory_space<vmem>>, %arg6: memref<384x256xf32, #tpu.memory_space<vmem>>, %arg7: memref<1x256xf32, #tpu.memory_space<vmem>>, %arg8: memref<256x128xf32, #tpu.memory_space<vmem>>, %arg9: memref<1x128xf32, #tpu.memory_space<vmem>>, %arg10: memref<1000x128xf32, #tpu.memory_space<vmem>>) attributes {dimension_semantics = [#tpu.dimension_semantics<arbitrary>], iteration_bounds = array<i64: 10>, scalar_prefetch = 0 : i64, scratch_operands = 0 : i64, tpu.core_type = #tpu.core_type<tc>, window_params = [{transform_indices = @transform_0, window_bounds = array<i64: 1000, 128>}, {transform_indices = @transform_1, window_bounds = array<i64: 1, 1000, 64>}, {transform_indices = @transform_2, window_bounds = array<i64: 1, 1000, 64>}, {transform_indices = @transform_3, window_bounds = array<i64: 1, 1000, 64>}, {transform_indices = @transform_4, window_bounds = array<i64: 1, 1000, 64>}, {pipeline_mode = #tpu.pipeline_mode<synchronous>, transform_indices = @transform_5, window_bounds = array<i64: 384, 256>}, {pipeline_mode = #tpu.pipeline_mode<synchronous>, transform_indices = @transform_6, window_bounds = array<i64: 1, 256>}, {pipeline_mode = #tpu.pipeline_mode<synchronous>, transform_indices = @transform_7, window_bounds = array<i64: 256, 128>}, {pipeline_mode = #tpu.pipeline_mode<synchronous>, transform_indices = @transform_8, window_bounds = array<i64: 1, 128>}, {transform_indices = @transform_9, window_bounds = array<i64: 1000, 128>}]} {
    %get3A = arith.constant 0 : index
    %get3A_0 = arith.constant 0 : index
    %get3A_1 = vector.load %arg1[%get3A, %get3A_0] : memref<1000x128xf32, #tpu.memory_space<vmem>>, vector<1000x128xf32>
    %max3A = arith.constant 0.000000e+00 : f32
    %max3A_2 = vector.broadcast %max3A : f32 to vector<1000x128xf32>
    %max3A_3 = arith.maximumf %get3A_1, %max3A_2 : vector<1000x128xf32>
    %get3A_4 = arith.constant 0 : index
    %get3A_5 = arith.constant 0 : index
    %get3A_6 = vector.load %arg6[%get3A_4, %get3A_5] : memref<384x256xf32, #tpu.memory_space<vmem>>, vector<128x256xf32>
    %dot_general3A = arith.constant dense<0.000000e+00> : vector<1000x256xf32>
    %dot_general3A_7 = tpu.matmul %max3A_3, %get3A_6, %dot_general3A {dimension_numbers = #tpu.dot_dimension_numbers<[1], [0], [0], [1], [0, 0, 1, 1], [], []>, transpose_lhs_hint = false} : vector<1000x128xf32>, vector<128x256xf32>, vector<1000x256xf32> -> vector<1000x256xf32>
    %get3A_8 = arith.constant 0 : index
    %get3A_9 = arith.constant 0 : index
    %get3A_10 = arith.constant 0 : index
    %get3A_11 = vector.load %arg2[%get3A_8, %get3A_9, %get3A_10] : memref<1x1000x64xf32, #tpu.memory_space<vmem>>, vector<1x1000x64xf32>
    %get3A_12 = vector.shape_cast %get3A_11 : vector<1x1000x64xf32> to vector<1000x64xf32>
    %get3A_13 = arith.constant 128 : index
    %get3A_14 = arith.constant 0 : index
    %get3A_15 = vector.load %arg6[%get3A_13, %get3A_14] : memref<384x256xf32, #tpu.memory_space<vmem>>, vector<64x256xf32>
    %dot_general3A_16 = arith.constant dense<0.000000e+00> : vector<1000x256xf32>
    %dot_general3A_17 = tpu.matmul %get3A_12, %get3A_15, %dot_general3A_16 {dimension_numbers = #tpu.dot_dimension_numbers<[1], [0], [0], [1], [0, 0, 1, 1], [], []>, transpose_lhs_hint = false} : vector<1000x64xf32>, vector<64x256xf32>, vector<1000x256xf32> -> vector<1000x256xf32>
    %add3A = arith.addf %dot_general3A_7, %dot_general3A_17 : vector<1000x256xf32>
    %get3A_18 = arith.constant 0 : index
    %get3A_19 = arith.constant 0 : index
    %get3A_20 = arith.constant 0 : index
    %get3A_21 = vector.load %arg3[%get3A_18, %get3A_19, %get3A_20] : memref<1x1000x64xf32, #tpu.memory_space<vmem>>, vector<1x1000x64xf32>
    %get3A_22 = vector.shape_cast %get3A_21 : vector<1x1000x64xf32> to vector<1000x64xf32>
    %get3A_23 = arith.constant 192 : index
    %get3A_24 = arith.constant 0 : index
    %get3A_25 = vector.load %arg6[%get3A_23, %get3A_24] : memref<384x256xf32, #tpu.memory_space<vmem>>, vector<64x256xf32>
    %dot_general3A_26 = arith.constant dense<0.000000e+00> : vector<1000x256xf32>
    %dot_general3A_27 = tpu.matmul %get3A_22, %get3A_25, %dot_general3A_26 {dimension_numbers = #tpu.dot_dimension_numbers<[1], [0], [0], [1], [0, 0, 1, 1], [], []>, transpose_lhs_hint = false} : vector<1000x64xf32>, vector<64x256xf32>, vector<1000x256xf32> -> vector<1000x256xf32>
    %add3A_28 = arith.addf %add3A, %dot_general3A_27 : vector<1000x256xf32>
    %get3A_29 = arith.constant 0 : index
    %get3A_30 = arith.constant 0 : index
    %get3A_31 = arith.constant 0 : index
    %get3A_32 = vector.load %arg4[%get3A_29, %get3A_30, %get3A_31] : memref<1x1000x64xf32, #tpu.memory_space<vmem>>, vector<1x1000x64xf32>
    %get3A_33 = vector.shape_cast %get3A_32 : vector<1x1000x64xf32> to vector<1000x64xf32>
    %get3A_34 = arith.constant 256 : index
    %get3A_35 = arith.constant 0 : index
    %get3A_36 = vector.load %arg6[%get3A_34, %get3A_35] : memref<384x256xf32, #tpu.memory_space<vmem>>, vector<64x256xf32>
    %dot_general3A_37 = arith.constant dense<0.000000e+00> : vector<1000x256xf32>
    %dot_general3A_38 = tpu.matmul %get3A_33, %get3A_36, %dot_general3A_37 {dimension_numbers = #tpu.dot_dimension_numbers<[1], [0], [0], [1], [0, 0, 1, 1], [], []>, transpose_lhs_hint = false} : vector<1000x64xf32>, vector<64x256xf32>, vector<1000x256xf32> -> vector<1000x256xf32>
    %add3A_39 = arith.addf %add3A_28, %dot_general3A_38 : vector<1000x256xf32>
    %get3A_40 = arith.constant 0 : index
    %get3A_41 = arith.constant 0 : index
    %get3A_42 = arith.constant 0 : index
    %get3A_43 = vector.load %arg5[%get3A_40, %get3A_41, %get3A_42] : memref<1x1000x64xf32, #tpu.memory_space<vmem>>, vector<1x1000x64xf32>
    %get3A_44 = vector.shape_cast %get3A_43 : vector<1x1000x64xf32> to vector<1000x64xf32>
    %get3A_45 = arith.constant 320 : index
    %get3A_46 = arith.constant 0 : index
    %get3A_47 = vector.load %arg6[%get3A_45, %get3A_46] : memref<384x256xf32, #tpu.memory_space<vmem>>, vector<64x256xf32>
    %dot_general3A_48 = arith.constant dense<0.000000e+00> : vector<1000x256xf32>
    %dot_general3A_49 = tpu.matmul %get3A_44, %get3A_47, %dot_general3A_48 {dimension_numbers = #tpu.dot_dimension_numbers<[1], [0], [0], [1], [0, 0, 1, 1], [], []>, transpose_lhs_hint = false} : vector<1000x64xf32>, vector<64x256xf32>, vector<1000x256xf32> -> vector<1000x256xf32>
    %add3A_50 = arith.addf %add3A_39, %dot_general3A_49 : vector<1000x256xf32>
    %get3A_51 = arith.constant 0 : index
    %get3A_52 = arith.constant 0 : index
    %get3A_53 = vector.load %arg7[%get3A_51, %get3A_52] : memref<1x256xf32, #tpu.memory_space<vmem>>, vector<1x256xf32>
    %add3A_54 = vector.broadcast %get3A_53 : vector<1x256xf32> to vector<1000x256xf32>
    %add3A_55 = arith.addf %add3A_50, %add3A_54 : vector<1000x256xf32>
    %max3A_56 = arith.constant 0.000000e+00 : f32
    %max3A_57 = vector.broadcast %max3A_56 : f32 to vector<1000x256xf32>
    %max3A_58 = arith.maximumf %add3A_55, %max3A_57 : vector<1000x256xf32>
    %get3A_59 = arith.constant 0 : index
    %get3A_60 = arith.constant 0 : index
    %get3A_61 = vector.load %arg8[%get3A_59, %get3A_60] : memref<256x128xf32, #tpu.memory_space<vmem>>, vector<256x128xf32>
    %dot_general3A_62 = arith.constant dense<0.000000e+00> : vector<1000x128xf32>
    %dot_general3A_63 = tpu.matmul %max3A_58, %get3A_61, %dot_general3A_62 {dimension_numbers = #tpu.dot_dimension_numbers<[1], [0], [0], [1], [0, 0, 1, 1], [], []>, transpose_lhs_hint = false} : vector<1000x256xf32>, vector<256x128xf32>, vector<1000x128xf32> -> vector<1000x128xf32>
    %get3A_64 = arith.constant 0 : index
    %get3A_65 = arith.constant 0 : index
    %get3A_66 = vector.load %arg9[%get3A_64, %get3A_65] : memref<1x128xf32, #tpu.memory_space<vmem>>, vector<1x128xf32>
    %add3A_67 = vector.broadcast %get3A_66 : vector<1x128xf32> to vector<1000x128xf32>
    %add3A_68 = arith.addf %dot_general3A_63, %add3A_67 : vector<1000x128xf32>
    %swap3A = arith.constant 0 : index
    %swap3A_69 = arith.constant 0 : index
    %swap3A_70 = vector.load %arg10[%swap3A, %swap3A_69] : memref<1000x128xf32, #tpu.memory_space<vmem>>, vector<1000x128xf32>
    tpu.vector_store %arg10[%swap3A, %swap3A_69], %add3A_68 {strides = array<i32>} : memref<1000x128xf32, #tpu.memory_space<vmem>>, vector<1000x128xf32>,
    return
  }
  func.func @transform_0(%arg0: i32) -> (i32, i32) {
    %c0_i32 = arith.constant 0 : i32
    %c0_i32_0 = arith.constant 0 : i32
    return %arg0, %c0_i32 : i32, i32
  }
  func.func @transform_1(%arg0: i32) -> (i32, i32, i32) {
    %c0_i32 = arith.constant 0 : i32
    %c0_i32_0 = arith.constant 0 : i32
    %c0_i32_1 = arith.constant 0 : i32
    return %c0_i32, %arg0, %c0_i32_0 : i32, i32, i32
  }
  func.func @transform_2(%arg0: i32) -> (i32, i32, i32) {
    %c1_i32 = arith.constant 1 : i32
    %c0_i32 = arith.constant 0 : i32
    %c0_i32_0 = arith.constant 0 : i32
    return %c1_i32, %arg0, %c0_i32 : i32, i32, i32
  }
  func.func @transform_3(%arg0: i32) -> (i32, i32, i32) {
    %add3A = arith.constant 10 : i32
    %add3A_0 = arith.addi %add3A, %arg0 : i32
    %c0_i32 = arith.constant 0 : i32
    %c0_i32_1 = arith.constant 0 : i32
    %c0_i32_2 = arith.constant 0 : i32
    return %c0_i32, %add3A_0, %c0_i32_1 : i32, i32, i32
  }
  func.func @transform_4(%arg0: i32) -> (i32, i32, i32) {
    %add3A = arith.constant 10 : i32
    %add3A_0 = arith.addi %add3A, %arg0 : i32
    %c1_i32 = arith.constant 1 : i32
    %c0_i32 = arith.constant 0 : i32
    %c0_i32_1 = arith.constant 0 : i32
    return %c1_i32, %add3A_0, %c0_i32 : i32, i32, i32
  }
  func.func @transform_5(%arg0: i32) -> (i32, i32) {
    %c0_i32 = arith.constant 0 : i32
    %c0_i32_0 = arith.constant 0 : i32
    %c0_i32_1 = arith.constant 0 : i32
    return %c0_i32, %c0_i32_0 : i32, i32
  }
  func.func @transform_6(%arg0: i32) -> (i32, i32) {
    %c0_i32 = arith.constant 0 : i32
    %c0_i32_0 = arith.constant 0 : i32
    %c0_i32_1 = arith.constant 0 : i32
    return %c0_i32, %c0_i32_0 : i32, i32
  }
  func.func @transform_7(%arg0: i32) -> (i32, i32) {
    %c0_i32 = arith.constant 0 : i32
    %c0_i32_0 = arith.constant 0 : i32
    %c0_i32_1 = arith.constant 0 : i32
    return %c0_i32, %c0_i32_0 : i32, i32
  }
  func.func @transform_8(%arg0: i32) -> (i32, i32) {
    %c0_i32 = arith.constant 0 : i32
    %c0_i32_0 = arith.constant 0 : i32
    %c0_i32_1 = arith.constant 0 : i32
    return %c0_i32, %c0_i32_0 : i32, i32
  }
  func.func @transform_9(%arg0: i32) -> (i32, i32) {
    %c0_i32 = arith.constant 0 : i32
    %c0_i32_0 = arith.constant 0 : i32
    return %arg0, %c0_i32 : i32, i32
  }
}

</mosaic_0001>

<sc_bundles>
// kernel: kernel.12.cloned.1.call-start
scs
__scs_entry_jumppad:
0x0: {  	(pc) =	sbr.rel $0x88, $3  }
0x1: {  	(tag) =	ssettag $0x0;
	lr =	simm.s32 $0x1  }
0x2: {  	[smem:$0x3F7A] =	sst lr;
	_ =	strace $0xD0000000  }
0x3: {  	_ = 	snop  }
0x4: {  	_ = 	snop  }
0x5: {  	_ = 	snop  }
0x6: {  	_ = 	snop  }
0x7: {  	_ = 	snop  }
__scs_overlays_trampoline_lowered:
0x8: {  	[smem:$0x3F89] =	sst s0  }
0x9: {  	[smem:$0x3F8A] =	sst s1  }
0xa: {  	[smem:$0x3F8B] =	sst s2  }
0xb: {  	[smem:$0x3F8C] =	sst s3  }
0xc: {  	[smem:$0x3F8D] =	sst s4  }
0xd: {  	[smem:$0x3F8E] =	sst s5  }
0xe: {  	[smem:$0x3F8F] =	sst s6  }
0xf: {  	[smem:$0x3F90] =	sst s7  }
0x10: {  	[smem:$0x3F91] =	sst s8  }
0x11: {  	[smem:$0x3F92] =	sst s9;
	s0 =	simm.s32 @!p0 $0x0  }
0x12: {  	s1 =	sld [smem:$0x3F78];
	s0 =	simm.s32 @p0 $0x1  }
0x13: {  	[smem:$0x3F93] =	sst s0;
	s0 =	simm.s32 @!p1 $0x0  }
0x14: {  	s2 =	sld [smem:$0x3F77];
	s0 =	simm.s32 @p1 $0x1  }
0x15: {  	[smem:$0x3F94] =	sst s0;
	s0 =	simm.s32 @!p2 $0x0  }
0x16: {  	s3 =	sld [smem:$0x3FDB];
	s0 =	simm.s32 @p2 $0x1  }
0x17: {  	s4 =	simm.s32 $0x1BF5;
	[smem:$0x3F96] =	sst s0  }
0x18: {  	s0 =	sld [smem:$0x3F79];
	_ =	swait.ge [sflag:s4], $0x0  }
0x19: {  	s7 =	sld [smem:$0x3F7A]  }
0x1a: {  	s8 =	sadd.s32 $0xFFFFE003, lr  }
0x1b: {  	s9 =	sadd.s32 $0xFFFFFEF7, lr;
	s5 =	simm.s32 $0xFFFFFFFF;
	p2 =	slt.u32 s8, $0xFFFFF086  }
0x1c: {  	p1 =	slt.u32 s9, $0xF7A;
	s5 =	simm.s32 @!p2 $0x0  }
0x1d: {  	s5 =	simm.s32 @p1 $0x1;
	p0 =	seq.s32 s7, s2  }
0x1e: {  	s7 =	smul.u32 @!p0 $0xF7A, s2;
	p2 =	seq.s32 @!p0 s5, $0x0  }
0x1f: {  	s9 =	smul.u32 $0xF7A, s1;
	s8 =	simm.s32 @!p0 $0x1BF5;
	p2 =	por !p2, p0  }
0x20: {  	[sflag:s8] =	ssyncset.s32 @!p0 $0xFFFFF086;
	s6 =	sadd.s32 @!p0 s3, s7;
	s7 =	simm.s32 @!p0 $0x108  }
0x21: {  	s3 =	sadd.s32 s3, s9;
	s6 =	sadd.s32 @!p0 $0x88, s6;
	s7 =	simm.s32 @p2 $0x1082  }
0x22: {  	[simem:s7], [sflag:s8] =	dma.local @!p0 [hbm:s6], $0xF7A  }
0x23: {  	s9 =	sor.u32 $0xD0000000, s2;
	s6 =	simm.s32 $0x108;
	_ =	swait.ge @!p0 [sflag:s8], $0x0  }
0x24: {  	s3 =	sadd.s32 $0x88, s3;
	s6 =	simm.s32 @!p1 $0x1082;
	[sflag:s4] =	ssyncset.s32 $0xFFFFF086  }
0x25: {  	[simem:s6], [sflag:s4] =	dma.local [hbm:s3], $0xF7A  }
0x26: {  	[smem:$0x3F7A] =	sst s1;
	(tag) =	ssettag s2;
	_ =	strace s9  }
0x27: {  	s1 =	sld [smem:$0x3F8A]  }
0x28: {  	s2 =	sld [smem:$0x3F8B]  }
0x29: {  	s4 =	sld [smem:$0x3F8D]  }
0x2a: {  	p0 =	seq.s32 s5, $0x0;
	s5 =	sld [smem:$0x3F8E]  }
0x2b: {  	s6 =	sld [smem:$0x3F8F]  }
0x2c: {  	s7 =	sld [smem:$0x3F90]  }
0x2d: {  	s3 =	simm.s32 $0x108;
	s8 =	sld [smem:$0x3F91]  }
0x2e: {  	s3 =	simm.s32 @!p0 $0x1082;
	s9 =	sld [smem:$0x3F92]  }
0x2f: {  	lr =	sadd.s32 s0, s3;
	s0 =	sld [smem:$0x3F89]  }
0x30: {  	s3 =	sld [smem:$0x3F8C]  }
0x31: {  	[smem:$0x3F95] =	sst s10  }
0x32: {  	s10 =	sld [smem:$0x3F93];
	_ =	sdelay $0x3  }
0x33: {  	p0 =	seq.s32 s10, $0x1;
	s10 =	sld [smem:$0x3F95];
	_ =	sdelay $0x3  }
0x34: {  	[smem:$0x3F95] =	sst s10  }
0x35: {  	s10 =	sld [smem:$0x3F94];
	_ =	sdelay $0x3  }
0x36: {  	p1 =	seq.s32 s10, $0x1;
	s10 =	sld [smem:$0x3F95];
	_ =	sdelay $0x3  }
0x37: {  	[smem:$0x3F95] =	sst s10  }
0x38: {  	s10 =	sld [smem:$0x3F96]  }
0x39: {  	_ = 	snop;
	(pc) =	sbr.ind lr, $3  }
0x3a: {  	_ = 	snop  }
0x3b: {  	_ = 	snop  }
0x3c: {  	p2 =	seq.s32 s10, $0x1;
	s10 =	sld [smem:$0x3F95]  }
0x3d: {  	_ =	shalt  }
0x3e: {  	_ =	shalt  }
0x3f: {  	_ =	shalt  }
0x40: {  	_ =	shalt  }
0x41: {  	_ =	shalt  }
0x42: {  	_ =	shalt  }
0x43: {  	_ =	shalt  }
0x44: {  	_ =	shalt  }
0x45: {  	_ =	shalt  }
0x46: {  	_ =	shalt  }
0x47: {  	_ =	shalt  }
0x48: {  	_ =	shalt  }
0x49: {  	_ =	shalt  }
0x4a: {  	_ =	shalt  }
0x4b: {  	_ =	shalt  }
0x4c: {  	_ =	shalt  }
0x4d: {  	_ =	shalt  }
0x4e: {  	_ =	shalt  }
0x4f: {  	_ =	shalt  }
0x50: {  	_ =	shalt  }
0x51: {  	_ =	shalt  }
0x52: {  	_ =	shalt  }
0x53: {  	_ =	shalt  }
0x54: {  	_ =	shalt  }
0x55: {  	_ =	shalt  }
0x56: {  	_ =	shalt  }
0x57: {  	_ =	shalt  }
0x58: {  	_ =	shalt  }
0x59: {  	_ =	shalt  }
0x5a: {  	_ =	shalt  }
0x5b: {  	_ =	shalt  }
0x5c: {  	_ =	shalt  }
0x5d: {  	_ =	shalt  }
0x5e: {  	_ =	shalt  }
0x5f: {  	_ =	shalt  }
0x60: {  	_ =	shalt  }
0x61: {  	_ =	shalt  }
0x62: {  	_ =	shalt  }
0x63: {  	_ =	shalt  }
0x64: {  	_ =	shalt  }
0x65: {  	_ =	shalt  }
0x66: {  	_ =	shalt  }
0x67: {  	_ =	shalt  }
0x68: {  	_ =	shalt  }
0x69: {  	_ =	shalt  }
0x6a: {  	_ =	shalt  }
0x6b: {  	_ =	shalt  }
0x6c: {  	_ =	shalt  }
0x6d: {  	_ =	shalt  }
0x6e: {  	_ =	shalt  }
0x6f: {  	_ =	shalt  }
0x70: {  	_ =	shalt  }
0x71: {  	_ =	shalt  }
0x72: {  	_ =	shalt  }
0x73: {  	_ =	shalt  }
0x74: {  	_ =	shalt  }
0x75: {  	_ =	shalt  }
0x76: {  	_ =	shalt  }
0x77: {  	_ =	shalt  }
0x78: {  	_ =	shalt  }
0x79: {  	_ =	shalt  }
0x7a: {  	_ =	shalt  }
0x7b: {  	_ =	shalt  }
0x7c: {  	_ =	shalt  }
0x7d: {  	_ =	shalt  }
0x7e: {  	_ =	shalt  }
0x7f: {  	_ =	shalt  }
0x80: {  	_ =	shalt  }
0x81: {  	_ =	shalt  }
0x82: {  	_ =	shalt  }
0x83: {  	_ =	shalt  }
0x84: {  	_ =	shalt  }
0x85: {  	_ =	shalt  }
0x86: {  	_ =	shalt  }
0x87: {  	_ =	shalt  }
.Lfunc_end0:
.L_simem_size_0:
called_computation.1_lowered:
.L_overlay_start_0:
0x88: {  	s2 =	sld [smem:$0x3FD9]  }
0x89: {  	s3 =	sld [smem:$0x3FFE];
	_ =	sdelay $0x1  }
0x8a: {  	s1 =	srdreg.scid  }
0x8b: {  	s0 =	sand.u32 $0x1, s1  }
0x8c: {  	s17 =	sshll.u32 s0, $0xA;
	s2 =	sadd.s32 s3, s2  }
0x8d: {  	s2 =	sadd.s32 s2, s17  }
0x8e: {  	[smem:$0x3FA1] =	sst s2  }
0x8f: {  	_ = 	snop  }
0x90: {  	s2 =	sld [smem:$0x3FD0];
	(tm) =	ssettm $0x1  }
0x91: {  	s18 =	sld [smem:$0x3FFB];
	_ =	sdelay $0x3  }
0x92: {  	_ =	strace s18  }
0x93: {  	s3 =	sld [smem:$0x3FFC];
	_ =	sdelay $0x3  }
0x94: {  	_ =	strace s3  }
0x95: {  	s3 =	sld [smem:$0x3FFD];
	_ =	sdelay $0x3  }
0x96: {  	_ =	strace s3  }
0x97: {  	_ =	strace $0x8FFFFFFF  }
0x98: {  	s19 =	sld [smem:$0x3FDB];
	_ =	sdelay $0x1  }
0x99: {  	s4 =	simm.s32 $_scs_section_size  }
0x9a: {  	s5 =	simm.s32 $_size__tile_overlayer_lowered;
	s6 =	simm.s32 $_tile_overlayer_lowered  }
0x9b: {  	s22 =	simm.s32 $0x1BFF;
	s21 =	sshll.u32 s6, $0x1;
	s3 =	sadd.s32 s4, s19  }
0x9c: {  	s7 =	simm.s32 $0x0;
	s20 =	sshll.u32 s5, $0x1;
	s5 =	sadd.s32 s21, s3  }
0x9d: {  	[timem:s7], [sflag:s22] =	dma.local [hbm:s5], s20  }
0x9e: {  	_ =	swait.ge [sflag:s22], s20  }
0x9f: {  	s4 =	ssub.s32 $0x0, s20;
	[sflag:s22] =	ssyncset.done $0x0  }
0xa0: {  	[sflag:s22] =	ssyncadd.s32 s4;
	_ =	sdelay $0x1  }
0xa1: {  	s23 =	simm.s32 $0x1B8B  }
0xa2: {  	_ =	swait.ge [sflag:s23], $0x1  }
0xa3: {  	[sflag:s23] =	ssyncset.done $0x0  }
0xa4: {  	s25 =	simm.s32 $0x1B8E;
	s24 =	sld [smem:$0x3FFE];
	[sflag:s23] =	ssyncadd.s32 $0xFFFFFFFF  }
0xa5: {  	s26 =	simm.s32 $execute0_lowered;
	[smem:$0x3FD2] =	sst s25  }
0xa6: {  	s5 =	sshll.u32 s26, $0x1;
	_ =	strace $0x80000049;
	[dreg:$0x1] =	wrdreg $0xFFFFFFFF  }
0xa7: {  	s28 =	simm.s32 $_size_execute0_lowered;
	s3 =	sadd.s32 s3, s5;
	[dreg:$0x0] =	wrdreg $0x0  }
0xa8: {  	s5 =	sshll.u32 s28, $0x1;
	[dreg:$0x2] =	wrdreg s3  }
0xa9: {  	[dreg:$0x3] =	wrdreg s5  }
0xaa: {  	[dreg:$0x4] =	wrdreg $0xC0  }
0xab: {  	_ =	task [dreg:s7], $0x5FFFF  }
0xac: {  	[dreg:$0x1] =	wrdreg $0xFFFFFFFF  }
0xad: {  	[dreg:$0x0] =	wrdreg $0x60  }
0xae: {  	[dreg:$0x2] =	wrdreg s24  }
0xaf: {  	[dreg:$0x3] =	wrdreg s2  }
0xb0: {  	[dreg:$0x4] =	wrdreg $0x0  }
0xb1: {  	[dreg:$0x5] =	wrdreg $0x9  }
0xb2: {  	_ =	task.clear_ibuf [dreg:s7], $0x6FFFF;
	_ =	strace $0x90000049  }
0xb3: {  	s29 =	simm.s32 $0x9;
	_ =	strace $0x8000004B  }
0xb4: {  	_ =	swait.ge [sflag:s29], $0x1  }
0xb5: {  	[sflag:s29] =	ssyncadd.s32 $0xFFFFFFFF  }
0xb6: {  	_ =	strace $0x9000004B  }
0xb7: {  	_ =	sfence  }
0xb8: {  	s30 =	sld [smem:$0x0];
	_ =	sdelay $0x2  }
0xb9: {  	s31 =	sshll.u32 s1, $0xD;
	s1 =	sshrl.u32 s1, $0x2  }
0xba: {  	s3 =	sand.u32 $0x4000, s31;
	s1 =	sadd.s32 s1, s30  }
0xbb: {  	s0 =	sor.u32 s3, s0;
	s1 =	sshll.u32 s1, $0x11  }
0xbc: {  	s0 =	sor.u32 s1, s0  }
0xbd: {  	s0 =	sadd.s32 $0x8F2B, s0  }
0xbe: {  	[sflag:s0] =	ssyncadd.remote.s32 $0x1  }
0xbf: {  	_ =	sfence.sel $0xFFFF  }
0xc0: {  	[dreg:$0x0] =	wrdreg $0xFFFFFFFF;
	(pc) =	sbr.abs _section_cstart, $3  }
0xc1: {  	[dreg:$0x1] =	wrdreg $0xFFFFFFFF  }
0xc2: {  	_ =	task.clear_ibuf [dreg:s7], $0x2FFFF;
	_ =	strace $0x9FFFFFFF  }
0xc3: {  	(tm) =	ssettm $0x7FFFFFFF  }
tec
execute0_lowered:
.L_overlay_start_1:
0x0: {  	(tag) =	ssettag $0x1  }
0x1: {  	s6 =	rddreg [dreg:$0x0]  }
0x2: {  	s7 =	rddreg [dreg:$0x1]  }
0x3: {  	s2 =	rddreg [dreg:$0x2]  }
0x4: {  	s0 =	rddreg [dreg:$0x3]  }
0x5: {  	s1 =	stileid.u32;
	s4 =	srdreg.scid;
	s3 =	simm.s32 $0x0  }
0x6: {  	s15 =	simm.s32 $0x50;
	s16 =	simm.s32 $0x1D640;
	s17 =	simm.s32 $0x1EA40  }
0x7: {  	s18 =	simm.s32 $0x1;
	s19 =	simm.s32 $0x2;
	s20 =	simm.s32 $0x187D0  }
0x8: {  	s21 =	simm.s32 $0x1D5A0;
	s22 =	simm.s32 $0x1D5F0;
	s8 =	smul.u32 $0x4E20, s1  }
0x9: {  	s23 =	simm.s32 $0x0;
	s5 =	sand.u32 $0x1, s4;
	s9 =	smul.u32 $0x13A00, s1  }
0xa: {  	[smem:$0x7FF] =	sst s3;
	s4 =	sadd.s32 $0x10000, s6;
	s30 =	sshll.u32 s1, $0x6  }
0xb: {  	s11 =	smul.u32 $0x13A000, s5;
	_ =	strace $0x8000004A;
	s12 =	ssub.s32 $0x2, s5  }
0xc: {  	s13 =	smul.u32 $0x4E200, s5;
	s5 =	sadd.s32 $0x5E200, s6;
	s10 =	sshrl.u32 s8, $0x3  }
0xd: {  	s14 =	sshrl.u32 s12, $0x1;
	s29 =	sadd.s32 s9, s2;
	s10 =	sadd.s32 s10, s6  }
0xe: {  	s11 =	sadd.s32 s9, s11;
	s12 =	ssub.s32 s12, s14;
	s28 =	sadd.s32 s8, s13  }
0xf: {  	s13 =	simm.s32 $0x13A00;
	s14 =	simm.s32 $0x18820;
	s11 =	sshrl.u32 s11, $0x3  }
0x10: {  	s31 =	sshrl.u32 s28, $0x3;
	s8 =	sadd.s32 $0x6200, s10;
	s10 =	smax.u32 s12, $0x1  }
0x11: {  	s12 =	simm.s32 $0x3;
	s11 =	sadd.s32 s11, s6;
	s6 =	sor.u32 $0x1C03, s30  }
0x12: {  	s7 =	sadd.s32 s7, s31;
	s9 =	sadd.s32 $0x60A00, s11;
	s11 =	sshrl.u32 s29, $0x3  }
.LBB2_1:
0x13: {  	[spmem:s11], [sflag:s6] =	dma.local [hbm:s5], $0x2740  }
0x14: {  	_ =	swait.ge [sflag:s12], $0x2740  }
0x15: {  	[sflag:s12] =	ssyncset.done $0x0  }
0x16: {  	[sflag:s12] =	ssyncadd.s32 $0xFFFFD8C0  }
0x17: {  	[bflag:$0x0] =	sbarrier.arrive $0xFFFF  }
0x18: {  	[tilespmem:s13], [sflag:$0x3] =	stream.linear.gather [hbm4b:s7+s3], $0x4E20, $0x38;
	[tilespmem:$0x1FE40] =	vst v63  }
0x19: {  	_ =	swait.ge [sflag:s12], $0x4E20  }
0x1a: {  	[sflag:s12] =	ssyncset.done $0x0  }
0x1b: {  	[sflag:s12] =	ssyncadd.s32 $0xFFFFB1E0  }
0x1c: {  	[tilespmem:s14], [sflag:$0x3] =	stream.linear.gather [hbm4b:s8+s3], $0x4E20, $0x38;
	[tilespmem:$0x1FE40] =	vst v63  }
0x1d: {  	_ =	swait.ge [sflag:s12], $0x4E20  }
0x1e: {  	[sflag:s12] =	ssyncset.done $0x0  }
0x1f: {  	[sflag:s12] =	ssyncadd.s32 $0xFFFFB1E0  }
0x20: {  	[tilespmem:s16], [sflag:$0x1] =	stream.indirect.gather [hbm4b:s4+s15], $0x40, s13, s15, $0xb8;
	[tilespmem:$0x1FE40] =	vst v63  }
0x21: {  	s24 =	simm.s32 $0x13A50  }
0x22: {  	[tilespmem:s17], [sflag:$0x2] =	stream.indirect.gather [hbm4b:s4+s15], $0x40, s24, s15, $0xb8;
	[tilespmem:$0x1FE40] =	vst v63  }
0x23: {  	_ =	swait.ge [sflag:s18], $0x1400  }
0x24: {  	[sflag:s18] =	ssyncset.done $0x0  }
0x25: {  	s29 =	simm.s32 $0x18820;
	[sflag:s18] =	ssyncadd.s32 $0xFFFFEC00  }
0x26: {  	[spmem:s2] =	stream.indirect.scatter.add.f32 [tilespmem:s16], [sflag:$0x3], $0x40, s29, s15, $0xb8;
	[tilespmem:$0x1FE40] =	vst v63  }
0x27: {  	_ =	swait.ge [sflag:s12], $0x1400  }
0x28: {  	[sflag:s12] =	ssyncset.done $0x0  }
0x29: {  	s30 =	simm.s32 $0x13AA0;
	[sflag:s12] =	ssyncadd.s32 $0xFFFFEC00  }
0x2a: {  	[tilespmem:s16], [sflag:$0x1] =	stream.indirect.gather [hbm4b:s4+s15], $0x40, s30, s15, $0xb8;
	[tilespmem:$0x1FE40] =	vst v63  }
0x2b: {  	_ =	swait.ge [sflag:s19], $0x1400  }
0x2c: {  	[sflag:s19] =	ssyncset.done $0x0  }
0x2d: {  	s31 =	simm.s32 $0x18870;
	[sflag:s19] =	ssyncadd.s32 $0xFFFFEC00  }
0x2e: {  	[spmem:s2] =	stream.indirect.scatter.add.f32 [tilespmem:s17], [sflag:$0x3], $0x40, s31, s15, $0xb8;
	[tilespmem:$0x1FE40] =	vst v63  }
0x2f: {  	_ =	swait.ge [sflag:s12], $0x1400  }
0x30: {  	s25 =	simm.s32 $0x500;
	s24 =	simm.s32 $0xA0;
	[sflag:s12] =	ssyncset.done $0x0  }
.LBB2_2:
0x31: {  	s26 =	sadd.s32 $0x13A50, s24  }
0x32: {  	[sflag:s12] =	ssyncadd.s32 $0xFFFFEC00;
	s28 =	smov.u32 s25;
	s29 =	sadd.s32 $0x280, s25  }
0x33: {  	[tilespmem:s17], [sflag:$0x2] =	stream.indirect.gather [hbm4b:s4+s15], $0x40, s26, s15, $0xb8;
	[tilespmem:$0x1FE40] =	vst v63  }
0x34: {  	p0 =	sne.s32 s25, $0x13380;
	_ =	swait.ge [sflag:s18], $0x1400  }
0x35: {  	[sflag:s18] =	ssyncset.done $0x0  }
0x36: {  	s25 =	sadd.s32 $0x18820, s24;
	[sflag:s18] =	ssyncadd.s32 $0xFFFFEC00  }
0x37: {  	[spmem:s2] =	stream.indirect.scatter.add.f32 [tilespmem:s16], [sflag:$0x3], $0x40, s25, s15, $0xb8;
	[tilespmem:$0x1FE40] =	vst v63  }
0x38: {  	_ =	swait.ge [sflag:s12], $0x1400  }
0x39: {  	[sflag:s12] =	ssyncset.done $0x0  }
0x3a: {  	s25 =	sadd.s32 $0x13AA0, s24;
	[sflag:s12] =	ssyncadd.s32 $0xFFFFEC00  }
0x3b: {  	[tilespmem:s16], [sflag:$0x1] =	stream.indirect.gather [hbm4b:s4+s15], $0x40, s25, s15, $0xb8;
	[tilespmem:$0x1FE40] =	vst v63  }
0x3c: {  	_ =	swait.ge [sflag:s19], $0x1400  }
.Ltmp0:
0x3d: {  	[sflag:s19] =	ssyncset.done $0x0;
	(pc) =	sbr.rel @p0 .LBB2_2-.Ltmp0, $4  }
0x3e: {  	s24 =	sadd.s32 $0x18870, s24;
	[sflag:s19] =	ssyncadd.s32 $0xFFFFEC00  }
0x3f: {  	[spmem:s2] =	stream.indirect.scatter.add.f32 [tilespmem:s17], [sflag:$0x3], $0x40, s24, s15, $0xb8;
	[tilespmem:$0x1FE40] =	vst v63  }
0x40: {  	_ =	swait.ge [sflag:s12], $0x1400  }
0x41: {  	s25 =	smov.u32 s29;
	s24 =	sshra.s32 s28, $0x2;
	[sflag:s12] =	ssyncset.done $0x0  }
0x42: {  	s25 =	sadd.s32 $0x13A50, s24;
	[sflag:s12] =	ssyncadd.s32 $0xFFFFEC00  }
0x43: {  	[tilespmem:s17], [sflag:$0x2] =	stream.indirect.gather [hbm4b:s4+s15], $0x40, s25, s15, $0xb8;
	[tilespmem:$0x1FE40] =	vst v63  }
0x44: {  	_ =	swait.ge [sflag:s18], $0x1400  }
0x45: {  	[sflag:s18] =	ssyncset.done $0x0  }
0x46: {  	s29 =	sadd.s32 $0x18820, s24;
	[sflag:s18] =	ssyncadd.s32 $0xFFFFEC00  }
0x47: {  	[spmem:s2] =	stream.indirect.scatter.add.f32 [tilespmem:s16], [sflag:$0x3], $0x40, s29, s15, $0xb8;
	[tilespmem:$0x1FE40] =	vst v63  }
0x48: {  	_ =	swait.ge [sflag:s12], $0x1400  }
0x49: {  	[sflag:s12] =	ssyncset.done $0x0  }
0x4a: {  	s30 =	sadd.s32 $0x13AA0, s24;
	[sflag:s12] =	ssyncadd.s32 $0xFFFFEC00  }
0x4b: {  	[tilespmem:s16], [sflag:$0x1] =	stream.indirect.gather [hbm4b:s4+s15], $0x40, s30, s15, $0xb8;
	[tilespmem:$0x1FE40] =	vst v63  }
0x4c: {  	_ =	swait.ge [sflag:s19], $0x1400  }
0x4d: {  	[sflag:s19] =	ssyncset.done $0x0  }
0x4e: {  	s31 =	sadd.s32 $0x18870, s24;
	[sflag:s19] =	ssyncadd.s32 $0xFFFFEC00  }
0x4f: {  	[spmem:s2] =	stream.indirect.scatter.add.f32 [tilespmem:s17], [sflag:$0x3], $0x40, s31, s15, $0xb8;
	[tilespmem:$0x1FE40] =	vst v63  }
0x50: {  	_ =	swait.ge [sflag:s12], $0x1400  }
0x51: {  	[sflag:s12] =	ssyncset.done $0x0  }
0x52: {  	[sflag:s12] =	ssyncadd.s32 $0xFFFFEC00  }
0x53: {  	[tilespmem:s17], [sflag:$0x2] =	stream.indirect.gather [hbm4b:s4+s15], $0x40, s20, s15, $0xb8;
	[tilespmem:$0x1FE40] =	vst v63  }
0x54: {  	_ =	swait.ge [sflag:s18], $0x1400  }
0x55: {  	[sflag:s18] =	ssyncset.done $0x0  }
0x56: {  	[sflag:s18] =	ssyncadd.s32 $0xFFFFEC00  }
0x57: {  	[spmem:s2] =	stream.indirect.scatter.add.f32 [tilespmem:s16], [sflag:$0x3], $0x40, s21, s15, $0xb8;
	[tilespmem:$0x1FE40] =	vst v63  }
0x58: {  	_ =	swait.ge [sflag:s12], $0x1400  }
0x59: {  	[sflag:s12] =	ssyncset.done $0x0  }
0x5a: {  	[sflag:s12] =	ssyncadd.s32 $0xFFFFEC00  }
0x5b: {  	_ =	swait.ge [sflag:s19], $0x1400  }
0x5c: {  	[sflag:s19] =	ssyncset.done $0x0  }
0x5d: {  	[sflag:s19] =	ssyncadd.s32 $0xFFFFEC00  }
0x5e: {  	[spmem:s2] =	stream.indirect.scatter.add.f32 [tilespmem:s17], [sflag:$0x3], $0x40, s22, s15, $0xb8;
	[tilespmem:$0x1FE40] =	vst v63  }
0x5f: {  	_ =	swait.ge [sflag:s12], $0x1400  }
0x60: {  	s23 =	sadd.s32 $0x1, s23;
	[sflag:s12] =	ssyncset.done $0x0  }
0x61: {  	p0 =	sne.s32 s23, s10;
	[sflag:s12] =	ssyncadd.s32 $0xFFFFEC00  }
.Ltmp1:
0x62: {  	[bflag:$0x0] =	sbarrier.arrive $0xFFFF;
	(pc) =	sbr.rel @p0 .LBB2_1-.Ltmp1, $4  }
0x63: {  	[hbm:s9], [sflag:s6] =	dma.local [spmem:s11], $0x2740  }
0x64: {  	_ =	swait.ge [sflag:s12], $0x2740  }
0x65: {  	[sflag:s12] =	ssyncset.done $0x0  }
0x66: {  	[sflag:s12] =	ssyncadd.s32 $0xFFFFD8C0  }
0x67: {  	_ =	sfence.sel $0x180000  }
0x68: {  	[bflag:$0x0] =	sbarrier.arrive $0xFFFF  }
0x69: {  	p0 =	sne.s32 s1, $0x0;
	_ =	strace $0x9000004A  }
0x6a: {  	s0 =	sadd.s32 @!p0 $0x100000, s0;
	[bflag:$0x2] =	sbarrier.arrive $0xFFFF  }
0x6b: {  	[sflag:s0] =	ssyncadd.tile.s32 @!p0 $0x1;
	_ =	shalt  }
.Lfunc_end2:
_tile_overlayer_lowered:
.L_overlay_start_2:
0x6c: {  	(tag) =	ssettag $0x2  }
0x6d: {  	s0 =	rddreg [dreg:$0x0];
	s2 =	stileid.u32  }
0x6e: {  	s1 =	rddreg [dreg:$0x1];
	p0 =	sne.s32 s2, $0x0  }
0x6f: {  	s3 =	rddreg [dreg:$0x2];
	[bflag:$0x3] =	sbarrier.arrive $0xFFFF;
	s2 =	simm.s32 @!p0 $0x1C03  }
0x70: {  	[timem:s3], [sflag:s2] =	dma.local @!p0 [hbm:s0], s1  }
0x71: {  	s0 =	simm.s32 @!p0 $0x3  }
0x72: {  	_ =	swait.ge @!p0 [sflag:s0], s1  }
0x73: {  	s1 =	ssub.s32 @!p0 $0x0, s1;
	[sflag:s0] =	ssyncset.done @!p0 $0x0  }
0x74: {  	[sflag:s0] =	ssyncadd.s32 @!p0 s1  }
0x75: {  	[bflag:$0x3] =	sbarrier.arrive $0xFFFF  }
0x76: {  	_ =	shalt  }

// kernel: kernel.15.cloned.1.call-start
scs
__scs_entry_jumppad:
0x0: {  	(pc) =	sbr.rel $0x88, $3  }
0x1: {  	(tag) =	ssettag $0x0;
	lr =	simm.s32 $0x1  }
0x2: {  	[smem:$0x3F7A] =	sst lr;
	_ =	strace $0xD0000000  }
0x3: {  	_ = 	snop  }
0x4: {  	_ = 	snop  }
0x5: {  	_ = 	snop  }
0x6: {  	_ = 	snop  }
0x7: {  	_ = 	snop  }
__scs_overlays_trampoline_lowered:
0x8: {  	[smem:$0x3F89] =	sst s0  }
0x9: {  	[smem:$0x3F8A] =	sst s1  }
0xa: {  	[smem:$0x3F8B] =	sst s2  }
0xb: {  	[smem:$0x3F8C] =	sst s3  }
0xc: {  	[smem:$0x3F8D] =	sst s4  }
0xd: {  	[smem:$0x3F8E] =	sst s5  }
0xe: {  	[smem:$0x3F8F] =	sst s6  }
0xf: {  	[smem:$0x3F90] =	sst s7  }
0x10: {  	[smem:$0x3F91] =	sst s8  }
0x11: {  	[smem:$0x3F92] =	sst s9;
	s0 =	simm.s32 @!p0 $0x0  }
0x12: {  	s1 =	sld [smem:$0x3F78];
	s0 =	simm.s32 @p0 $0x1  }
0x13: {  	[smem:$0x3F93] =	sst s0;
	s0 =	simm.s32 @!p1 $0x0  }
0x14: {  	s2 =	sld [smem:$0x3F77];
	s0 =	simm.s32 @p1 $0x1  }
0x15: {  	[smem:$0x3F94] =	sst s0;
	s0 =	simm.s32 @!p2 $0x0  }
0x16: {  	s3 =	sld [smem:$0x3FDB];
	s0 =	simm.s32 @p2 $0x1  }
0x17: {  	s4 =	simm.s32 $0x1BF5;
	[smem:$0x3F96] =	sst s0  }
0x18: {  	s0 =	sld [smem:$0x3F79];
	_ =	swait.ge [sflag:s4], $0x0  }
0x19: {  	s7 =	sld [smem:$0x3F7A]  }
0x1a: {  	s8 =	sadd.s32 $0xFFFFE003, lr  }
0x1b: {  	s9 =	sadd.s32 $0xFFFFFEF7, lr;
	s5 =	simm.s32 $0xFFFFFFFF;
	p2 =	slt.u32 s8, $0xFFFFF086  }
0x1c: {  	p1 =	slt.u32 s9, $0xF7A;
	s5 =	simm.s32 @!p2 $0x0  }
0x1d: {  	s5 =	simm.s32 @p1 $0x1;
	p0 =	seq.s32 s7, s2  }
0x1e: {  	s7 =	smul.u32 @!p0 $0xF7A, s2;
	p2 =	seq.s32 @!p0 s5, $0x0  }
0x1f: {  	s9 =	smul.u32 $0xF7A, s1;
	s8 =	simm.s32 @!p0 $0x1BF5;
	p2 =	por !p2, p0  }
0x20: {  	[sflag:s8] =	ssyncset.s32 @!p0 $0xFFFFF086;
	s6 =	sadd.s32 @!p0 s3, s7;
	s7 =	simm.s32 @!p0 $0x108  }
0x21: {  	s3 =	sadd.s32 s3, s9;
	s6 =	sadd.s32 @!p0 $0x88, s6;
	s7 =	simm.s32 @p2 $0x1082  }
0x22: {  	[simem:s7], [sflag:s8] =	dma.local @!p0 [hbm:s6], $0xF7A  }
0x23: {  	s9 =	sor.u32 $0xD0000000, s2;
	s6 =	simm.s32 $0x108;
	_ =	swait.ge @!p0 [sflag:s8], $0x0  }
0x24: {  	s3 =	sadd.s32 $0x88, s3;
	s6 =	simm.s32 @!p1 $0x1082;
	[sflag:s4] =	ssyncset.s32 $0xFFFFF086  }
0x25: {  	[simem:s6], [sflag:s4] =	dma.local [hbm:s3], $0xF7A  }
0x26: {  	[smem:$0x3F7A] =	sst s1;
	(tag) =	ssettag s2;
	_ =	strace s9  }
0x27: {  	s1 =	sld [smem:$0x3F8A]  }
0x28: {  	s2 =	sld [smem:$0x3F8B]  }
0x29: {  	s4 =	sld [smem:$0x3F8D]  }
0x2a: {  	p0 =	seq.s32 s5, $0x0;
	s5 =	sld [smem:$0x3F8E]  }
0x2b: {  	s6 =	sld [smem:$0x3F8F]  }
0x2c: {  	s7 =	sld [smem:$0x3F90]  }
0x2d: {  	s3 =	simm.s32 $0x108;
	s8 =	sld [smem:$0x3F91]  }
0x2e: {  	s3 =	simm.s32 @!p0 $0x1082;
	s9 =	sld [smem:$0x3F92]  }
0x2f: {  	lr =	sadd.s32 s0, s3;
	s0 =	sld [smem:$0x3F89]  }
0x30: {  	s3 =	sld [smem:$0x3F8C]  }
0x31: {  	[smem:$0x3F95] =	sst s10  }
0x32: {  	s10 =	sld [smem:$0x3F93];
	_ =	sdelay $0x3  }
0x33: {  	p0 =	seq.s32 s10, $0x1;
	s10 =	sld [smem:$0x3F95];
	_ =	sdelay $0x3  }
0x34: {  	[smem:$0x3F95] =	sst s10  }
0x35: {  	s10 =	sld [smem:$0x3F94];
	_ =	sdelay $0x3  }
0x36: {  	p1 =	seq.s32 s10, $0x1;
	s10 =	sld [smem:$0x3F95];
	_ =	sdelay $0x3  }
0x37: {  	[smem:$0x3F95] =	sst s10  }
0x38: {  	s10 =	sld [smem:$0x3F96]  }
0x39: {  	_ = 	snop;
	(pc) =	sbr.ind lr, $3  }
0x3a: {  	_ = 	snop  }
0x3b: {  	_ = 	snop  }
0x3c: {  	p2 =	seq.s32 s10, $0x1;
	s10 =	sld [smem:$0x3F95]  }
0x3d: {  	_ =	shalt  }
0x3e: {  	_ =	shalt  }
0x3f: {  	_ =	shalt  }
0x40: {  	_ =	shalt  }
0x41: {  	_ =	shalt  }
0x42: {  	_ =	shalt  }
0x43: {  	_ =	shalt  }
0x44: {  	_ =	shalt  }
0x45: {  	_ =	shalt  }
0x46: {  	_ =	shalt  }
0x47: {  	_ =	shalt  }
0x48: {  	_ =	shalt  }
0x49: {  	_ =	shalt  }
0x4a: {  	_ =	shalt  }
0x4b: {  	_ =	shalt  }
0x4c: {  	_ =	shalt  }
0x4d: {  	_ =	shalt  }
0x4e: {  	_ =	shalt  }
0x4f: {  	_ =	shalt  }
0x50: {  	_ =	shalt  }
0x51: {  	_ =	shalt  }
0x52: {  	_ =	shalt  }
0x53: {  	_ =	shalt  }
0x54: {  	_ =	shalt  }
0x55: {  	_ =	shalt  }
0x56: {  	_ =	shalt  }
0x57: {  	_ =	shalt  }
0x58: {  	_ =	shalt  }
0x59: {  	_ =	shalt  }
0x5a: {  	_ =	shalt  }
0x5b: {  	_ =	shalt  }
0x5c: {  	_ =	shalt  }
0x5d: {  	_ =	shalt  }
0x5e: {  	_ =	shalt  }
0x5f: {  	_ =	shalt  }
0x60: {  	_ =	shalt  }
0x61: {  	_ =	shalt  }
0x62: {  	_ =	shalt  }
0x63: {  	_ =	shalt  }
0x64: {  	_ =	shalt  }
0x65: {  	_ =	shalt  }
0x66: {  	_ =	shalt  }
0x67: {  	_ =	shalt  }
0x68: {  	_ =	shalt  }
0x69: {  	_ =	shalt  }
0x6a: {  	_ =	shalt  }
0x6b: {  	_ =	shalt  }
0x6c: {  	_ =	shalt  }
0x6d: {  	_ =	shalt  }
0x6e: {  	_ =	shalt  }
0x6f: {  	_ =	shalt  }
0x70: {  	_ =	shalt  }
0x71: {  	_ =	shalt  }
0x72: {  	_ =	shalt  }
0x73: {  	_ =	shalt  }
0x74: {  	_ =	shalt  }
0x75: {  	_ =	shalt  }
0x76: {  	_ =	shalt  }
0x77: {  	_ =	shalt  }
0x78: {  	_ =	shalt  }
0x79: {  	_ =	shalt  }
0x7a: {  	_ =	shalt  }
0x7b: {  	_ =	shalt  }
0x7c: {  	_ =	shalt  }
0x7d: {  	_ =	shalt  }
0x7e: {  	_ =	shalt  }
0x7f: {  	_ =	shalt  }
0x80: {  	_ =	shalt  }
0x81: {  	_ =	shalt  }
0x82: {  	_ =	shalt  }
0x83: {  	_ =	shalt  }
0x84: {  	_ =	shalt  }
0x85: {  	_ =	shalt  }
0x86: {  	_ =	shalt  }
0x87: {  	_ =	shalt  }
.Lfunc_end0:
.L_simem_size_0:
called_computation.2_lowered:
.L_overlay_start_0:
0x88: {  	s2 =	sld [smem:$0x3FD9]  }
0x89: {  	s3 =	sld [smem:$0x3FFE];
	_ =	sdelay $0x1  }
0x8a: {  	s1 =	srdreg.scid  }
0x8b: {  	s0 =	sand.u32 $0x1, s1  }
0x8c: {  	s17 =	sshll.u32 s0, $0xA;
	s2 =	sadd.s32 s3, s2  }
0x8d: {  	s2 =	sadd.s32 s2, s17  }
0x8e: {  	[smem:$0x3FA1] =	sst s2  }
0x8f: {  	_ = 	snop  }
0x90: {  	s2 =	sld [smem:$0x3FD0];
	(tm) =	ssettm $0x1  }
0x91: {  	s18 =	sld [smem:$0x3FFB];
	_ =	sdelay $0x3  }
0x92: {  	_ =	strace s18  }
0x93: {  	s3 =	sld [smem:$0x3FFC];
	_ =	sdelay $0x3  }
0x94: {  	_ =	strace s3  }
0x95: {  	s3 =	sld [smem:$0x3FFD];
	_ =	sdelay $0x3  }
0x96: {  	_ =	strace s3  }
0x97: {  	_ =	strace $0x8FFFFFFF  }
0x98: {  	s19 =	sld [smem:$0x3FDB];
	_ =	sdelay $0x1  }
0x99: {  	s4 =	simm.s32 $_scs_section_size  }
0x9a: {  	s5 =	simm.s32 $_size__tile_overlayer_lowered;
	s6 =	simm.s32 $_tile_overlayer_lowered  }
0x9b: {  	s22 =	simm.s32 $0x1BFF;
	s21 =	sshll.u32 s6, $0x1;
	s3 =	sadd.s32 s4, s19  }
0x9c: {  	s7 =	simm.s32 $0x0;
	s20 =	sshll.u32 s5, $0x1;
	s5 =	sadd.s32 s21, s3  }
0x9d: {  	[timem:s7], [sflag:s22] =	dma.local [hbm:s5], s20  }
0x9e: {  	_ =	swait.ge [sflag:s22], s20  }
0x9f: {  	s4 =	ssub.s32 $0x0, s20;
	[sflag:s22] =	ssyncset.done $0x0  }
0xa0: {  	[sflag:s22] =	ssyncadd.s32 s4;
	_ =	sdelay $0x1  }
0xa1: {  	s23 =	simm.s32 $0x1B8B  }
0xa2: {  	_ =	swait.ge [sflag:s23], $0x1  }
0xa3: {  	[sflag:s23] =	ssyncset.done $0x0  }
0xa4: {  	s25 =	simm.s32 $0x1B8E;
	s24 =	sld [smem:$0x3FFE];
	[sflag:s23] =	ssyncadd.s32 $0xFFFFFFFF  }
0xa5: {  	s26 =	simm.s32 $execute0_lowered;
	[smem:$0x3FD2] =	sst s25  }
0xa6: {  	s5 =	sshll.u32 s26, $0x1;
	_ =	strace $0x8000004C;
	[dreg:$0x1] =	wrdreg $0xFFFFFFFF  }
0xa7: {  	s28 =	simm.s32 $_size_execute0_lowered;
	s3 =	sadd.s32 s3, s5;
	[dreg:$0x0] =	wrdreg $0x0  }
0xa8: {  	s5 =	sshll.u32 s28, $0x1;
	[dreg:$0x2] =	wrdreg s3  }
0xa9: {  	[dreg:$0x3] =	wrdreg s5  }
0xaa: {  	[dreg:$0x4] =	wrdreg $0xC0  }
0xab: {  	_ =	task [dreg:s7], $0x5FFFF  }
0xac: {  	[dreg:$0x1] =	wrdreg $0xFFFFFFFF  }
0xad: {  	[dreg:$0x0] =	wrdreg $0x60  }
0xae: {  	[dreg:$0x2] =	wrdreg s24  }
0xaf: {  	[dreg:$0x3] =	wrdreg s2  }
0xb0: {  	[dreg:$0x4] =	wrdreg $0x0  }
0xb1: {  	[dreg:$0x5] =	wrdreg $0x9  }
0xb2: {  	_ =	task.clear_ibuf [dreg:s7], $0x6FFFF;
	_ =	strace $0x9000004C  }
0xb3: {  	s29 =	simm.s32 $0x9;
	_ =	strace $0x8000004E  }
0xb4: {  	_ =	swait.ge [sflag:s29], $0x1  }
0xb5: {  	[sflag:s29] =	ssyncadd.s32 $0xFFFFFFFF  }
0xb6: {  	_ =	strace $0x9000004E  }
0xb7: {  	_ =	sfence  }
0xb8: {  	s30 =	sld [smem:$0x0];
	_ =	sdelay $0x2  }
0xb9: {  	s31 =	sshll.u32 s1, $0xD;
	s1 =	sshrl.u32 s1, $0x2  }
0xba: {  	s3 =	sand.u32 $0x4000, s31;
	s1 =	sadd.s32 s1, s30  }
0xbb: {  	s0 =	sor.u32 s3, s0;
	s1 =	sshll.u32 s1, $0x11  }
0xbc: {  	s0 =	sor.u32 s1, s0  }
0xbd: {  	s0 =	sadd.s32 $0x8F2B, s0  }
0xbe: {  	[sflag:s0] =	ssyncadd.remote.s32 $0x1  }
0xbf: {  	_ =	sfence.sel $0xFFFF  }
0xc0: {  	[dreg:$0x0] =	wrdreg $0xFFFFFFFF;
	(pc) =	sbr.abs _section_cstart, $3  }
0xc1: {  	[dreg:$0x1] =	wrdreg $0xFFFFFFFF  }
0xc2: {  	_ =	task.clear_ibuf [dreg:s7], $0x2FFFF;
	_ =	strace $0x9FFFFFFF  }
0xc3: {  	(tm) =	ssettm $0x7FFFFFFF  }
tec
execute0_lowered:
.L_overlay_start_1:
0x0: {  	(tag) =	ssettag $0x1  }
0x1: {  	s6 =	rddreg [dreg:$0x0]  }
0x2: {  	s7 =	rddreg [dreg:$0x1]  }
0x3: {  	s2 =	rddreg [dreg:$0x2]  }
0x4: {  	s0 =	rddreg [dreg:$0x3]  }
0x5: {  	s1 =	stileid.u32;
	s4 =	srdreg.scid;
	s3 =	simm.s32 $0x0  }
0x6: {  	s15 =	simm.s32 $0x50;
	s16 =	simm.s32 $0x1D640;
	s17 =	simm.s32 $0x1EA40  }
0x7: {  	s18 =	simm.s32 $0x1;
	s19 =	simm.s32 $0x2;
	s20 =	simm.s32 $0x187D0  }
0x8: {  	s21 =	simm.s32 $0x1D5A0;
	s22 =	simm.s32 $0x1D5F0;
	s8 =	smul.u32 $0x4E20, s1  }
0x9: {  	s23 =	simm.s32 $0x0;
	s5 =	sand.u32 $0x1, s4;
	s9 =	smul.u32 $0x13A00, s1  }
0xa: {  	[smem:$0x7FF] =	sst s3;
	s4 =	sadd.s32 $0x10000, s6;
	s30 =	sshll.u32 s1, $0x6  }
0xb: {  	s11 =	smul.u32 $0x13A000, s5;
	_ =	strace $0x8000004D;
	s12 =	ssub.s32 $0x2, s5  }
0xc: {  	s13 =	smul.u32 $0x4E200, s5;
	s5 =	sadd.s32 $0x5E200, s6;
	s10 =	sshrl.u32 s8, $0x3  }
0xd: {  	s14 =	sshrl.u32 s12, $0x1;
	s29 =	sadd.s32 s9, s2;
	s10 =	sadd.s32 s10, s6  }
0xe: {  	s11 =	sadd.s32 s9, s11;
	s12 =	ssub.s32 s12, s14;
	s28 =	sadd.s32 s8, s13  }
0xf: {  	s13 =	simm.s32 $0x13A00;
	s14 =	simm.s32 $0x18820;
	s11 =	sshrl.u32 s11, $0x3  }
0x10: {  	s31 =	sshrl.u32 s28, $0x3;
	s8 =	sadd.s32 $0x6200, s10;
	s10 =	smax.u32 s12, $0x1  }
0x11: {  	s12 =	simm.s32 $0x3;
	s11 =	sadd.s32 s11, s6;
	s6 =	sor.u32 $0x1C03, s30  }
0x12: {  	s7 =	sadd.s32 s7, s31;
	s9 =	sadd.s32 $0x60A00, s11;
	s11 =	sshrl.u32 s29, $0x3  }
.LBB2_1:
0x13: {  	[spmem:s11], [sflag:s6] =	dma.local [hbm:s5], $0x2740  }
0x14: {  	_ =	swait.ge [sflag:s12], $0x2740  }
0x15: {  	[sflag:s12] =	ssyncset.done $0x0  }
0x16: {  	[sflag:s12] =	ssyncadd.s32 $0xFFFFD8C0  }
0x17: {  	[bflag:$0x0] =	sbarrier.arrive $0xFFFF  }
0x18: {  	[tilespmem:s13], [sflag:$0x3] =	stream.linear.gather [hbm4b:s7+s3], $0x4E20, $0x38;
	[tilespmem:$0x1FE40] =	vst v63  }
0x19: {  	_ =	swait.ge [sflag:s12], $0x4E20  }
0x1a: {  	[sflag:s12] =	ssyncset.done $0x0  }
0x1b: {  	[sflag:s12] =	ssyncadd.s32 $0xFFFFB1E0  }
0x1c: {  	[tilespmem:s14], [sflag:$0x3] =	stream.linear.gather [hbm4b:s8+s3], $0x4E20, $0x38;
	[tilespmem:$0x1FE40] =	vst v63  }
0x1d: {  	_ =	swait.ge [sflag:s12], $0x4E20  }
0x1e: {  	[sflag:s12] =	ssyncset.done $0x0  }
0x1f: {  	[sflag:s12] =	ssyncadd.s32 $0xFFFFB1E0  }
0x20: {  	[tilespmem:s16], [sflag:$0x1] =	stream.indirect.gather [hbm4b:s4+s15], $0x40, s13, s15, $0xb8;
	[tilespmem:$0x1FE40] =	vst v63  }
0x21: {  	s24 =	simm.s32 $0x13A50  }
0x22: {  	[tilespmem:s17], [sflag:$0x2] =	stream.indirect.gather [hbm4b:s4+s15], $0x40, s24, s15, $0xb8;
	[tilespmem:$0x1FE40] =	vst v63  }
0x23: {  	_ =	swait.ge [sflag:s18], $0x1400  }
0x24: {  	[sflag:s18] =	ssyncset.done $0x0  }
0x25: {  	s29 =	simm.s32 $0x18820;
	[sflag:s18] =	ssyncadd.s32 $0xFFFFEC00  }
0x26: {  	[spmem:s2] =	stream.indirect.scatter.add.f32 [tilespmem:s16], [sflag:$0x3], $0x40, s29, s15, $0xb8;
	[tilespmem:$0x1FE40] =	vst v63  }
0x27: {  	_ =	swait.ge [sflag:s12], $0x1400  }
0x28: {  	[sflag:s12] =	ssyncset.done $0x0  }
0x29: {  	s30 =	simm.s32 $0x13AA0;
	[sflag:s12] =	ssyncadd.s32 $0xFFFFEC00  }
0x2a: {  	[tilespmem:s16], [sflag:$0x1] =	stream.indirect.gather [hbm4b:s4+s15], $0x40, s30, s15, $0xb8;
	[tilespmem:$0x1FE40] =	vst v63  }
0x2b: {  	_ =	swait.ge [sflag:s19], $0x1400  }
0x2c: {  	[sflag:s19] =	ssyncset.done $0x0  }
0x2d: {  	s31 =	simm.s32 $0x18870;
	[sflag:s19] =	ssyncadd.s32 $0xFFFFEC00  }
0x2e: {  	[spmem:s2] =	stream.indirect.scatter.add.f32 [tilespmem:s17], [sflag:$0x3], $0x40, s31, s15, $0xb8;
	[tilespmem:$0x1FE40] =	vst v63  }
0x2f: {  	_ =	swait.ge [sflag:s12], $0x1400  }
0x30: {  	s25 =	simm.s32 $0x500;
	s24 =	simm.s32 $0xA0;
	[sflag:s12] =	ssyncset.done $0x0  }
.LBB2_2:
0x31: {  	s26 =	sadd.s32 $0x13A50, s24  }
0x32: {  	[sflag:s12] =	ssyncadd.s32 $0xFFFFEC00;
	s28 =	smov.u32 s25;
	s29 =	sadd.s32 $0x280, s25  }
0x33: {  	[tilespmem:s17], [sflag:$0x2] =	stream.indirect.gather [hbm4b:s4+s15], $0x40, s26, s15, $0xb8;
	[tilespmem:$0x1FE40] =	vst v63  }
0x34: {  	p0 =	sne.s32 s25, $0x13380;
	_ =	swait.ge [sflag:s18], $0x1400  }
0x35: {  	[sflag:s18] =	ssyncset.done $0x0  }
0x36: {  	s25 =	sadd.s32 $0x18820, s24;
	[sflag:s18] =	ssyncadd.s32 $0xFFFFEC00  }
0x37: {  	[spmem:s2] =	stream.indirect.scatter.add.f32 [tilespmem:s16], [sflag:$0x3], $0x40, s25, s15, $0xb8;
	[tilespmem:$0x1FE40] =	vst v63  }
0x38: {  	_ =	swait.ge [sflag:s12], $0x1400  }
0x39: {  	[sflag:s12] =	ssyncset.done $0x0  }
0x3a: {  	s25 =	sadd.s32 $0x13AA0, s24;
	[sflag:s12] =	ssyncadd.s32 $0xFFFFEC00  }
0x3b: {  	[tilespmem:s16], [sflag:$0x1] =	stream.indirect.gather [hbm4b:s4+s15], $0x40, s25, s15, $0xb8;
	[tilespmem:$0x1FE40] =	vst v63  }
0x3c: {  	_ =	swait.ge [sflag:s19], $0x1400  }
.Ltmp0:
0x3d: {  	[sflag:s19] =	ssyncset.done $0x0;
	(pc) =	sbr.rel @p0 .LBB2_2-.Ltmp0, $4  }
0x3e: {  	s24 =	sadd.s32 $0x18870, s24;
	[sflag:s19] =	ssyncadd.s32 $0xFFFFEC00  }
0x3f: {  	[spmem:s2] =	stream.indirect.scatter.add.f32 [tilespmem:s17], [sflag:$0x3], $0x40, s24, s15, $0xb8;
	[tilespmem:$0x1FE40] =	vst v63  }
0x40: {  	_ =	swait.ge [sflag:s12], $0x1400  }
0x41: {  	s25 =	smov.u32 s29;
	s24 =	sshra.s32 s28, $0x2;
	[sflag:s12] =	ssyncset.done $0x0  }
0x42: {  	s25 =	sadd.s32 $0x13A50, s24;
	[sflag:s12] =	ssyncadd.s32 $0xFFFFEC00  }
0x43: {  	[tilespmem:s17], [sflag:$0x2] =	stream.indirect.gather [hbm4b:s4+s15], $0x40, s25, s15, $0xb8;
	[tilespmem:$0x1FE40] =	vst v63  }
0x44: {  	_ =	swait.ge [sflag:s18], $0x1400  }
0x45: {  	[sflag:s18] =	ssyncset.done $0x0  }
0x46: {  	s29 =	sadd.s32 $0x18820, s24;
	[sflag:s18] =	ssyncadd.s32 $0xFFFFEC00  }
0x47: {  	[spmem:s2] =	stream.indirect.scatter.add.f32 [tilespmem:s16], [sflag:$0x3], $0x40, s29, s15, $0xb8;
	[tilespmem:$0x1FE40] =	vst v63  }
0x48: {  	_ =	swait.ge [sflag:s12], $0x1400  }
0x49: {  	[sflag:s12] =	ssyncset.done $0x0  }
0x4a: {  	s30 =	sadd.s32 $0x13AA0, s24;
	[sflag:s12] =	ssyncadd.s32 $0xFFFFEC00  }
0x4b: {  	[tilespmem:s16], [sflag:$0x1] =	stream.indirect.gather [hbm4b:s4+s15], $0x40, s30, s15, $0xb8;
	[tilespmem:$0x1FE40] =	vst v63  }
0x4c: {  	_ =	swait.ge [sflag:s19], $0x1400  }
0x4d: {  	[sflag:s19] =	ssyncset.done $0x0  }
0x4e: {  	s31 =	sadd.s32 $0x18870, s24;
	[sflag:s19] =	ssyncadd.s32 $0xFFFFEC00  }
0x4f: {  	[spmem:s2] =	stream.indirect.scatter.add.f32 [tilespmem:s17], [sflag:$0x3], $0x40, s31, s15, $0xb8;
	[tilespmem:$0x1FE40] =	vst v63  }
0x50: {  	_ =	swait.ge [sflag:s12], $0x1400  }
0x51: {  	[sflag:s12] =	ssyncset.done $0x0  }
0x52: {  	[sflag:s12] =	ssyncadd.s32 $0xFFFFEC00  }
0x53: {  	[tilespmem:s17], [sflag:$0x2] =	stream.indirect.gather [hbm4b:s4+s15], $0x40, s20, s15, $0xb8;
	[tilespmem:$0x1FE40] =	vst v63  }
0x54: {  	_ =	swait.ge [sflag:s18], $0x1400  }
0x55: {  	[sflag:s18] =	ssyncset.done $0x0  }
0x56: {  	[sflag:s18] =	ssyncadd.s32 $0xFFFFEC00  }
0x57: {  	[spmem:s2] =	stream.indirect.scatter.add.f32 [tilespmem:s16], [sflag:$0x3], $0x40, s21, s15, $0xb8;
	[tilespmem:$0x1FE40] =	vst v63  }
0x58: {  	_ =	swait.ge [sflag:s12], $0x1400  }
0x59: {  	[sflag:s12] =	ssyncset.done $0x0  }
0x5a: {  	[sflag:s12] =	ssyncadd.s32 $0xFFFFEC00  }
0x5b: {  	_ =	swait.ge [sflag:s19], $0x1400  }
0x5c: {  	[sflag:s19] =	ssyncset.done $0x0  }
0x5d: {  	[sflag:s19] =	ssyncadd.s32 $0xFFFFEC00  }
0x5e: {  	[spmem:s2] =	stream.indirect.scatter.add.f32 [tilespmem:s17], [sflag:$0x3], $0x40, s22, s15, $0xb8;
	[tilespmem:$0x1FE40] =	vst v63  }
0x5f: {  	_ =	swait.ge [sflag:s12], $0x1400  }
0x60: {  	s23 =	sadd.s32 $0x1, s23;
	[sflag:s12] =	ssyncset.done $0x0  }
0x61: {  	p0 =	sne.s32 s23, s10;
	[sflag:s12] =	ssyncadd.s32 $0xFFFFEC00  }
.Ltmp1:
0x62: {  	[bflag:$0x0] =	sbarrier.arrive $0xFFFF;
	(pc) =	sbr.rel @p0 .LBB2_1-.Ltmp1, $4  }
0x63: {  	[hbm:s9], [sflag:s6] =	dma.local [spmem:s11], $0x2740  }
0x64: {  	_ =	swait.ge [sflag:s12], $0x2740  }
0x65: {  	[sflag:s12] =	ssyncset.done $0x0  }
0x66: {  	[sflag:s12] =	ssyncadd.s32 $0xFFFFD8C0  }
0x67: {  	_ =	sfence.sel $0x180000  }
0x68: {  	[bflag:$0x0] =	sbarrier.arrive $0xFFFF  }
0x69: {  	p0 =	sne.s32 s1, $0x0;
	_ =	strace $0x9000004D  }
0x6a: {  	s0 =	sadd.s32 @!p0 $0x100000, s0;
	[bflag:$0x2] =	sbarrier.arrive $0xFFFF  }
0x6b: {  	[sflag:s0] =	ssyncadd.tile.s32 @!p0 $0x1;
	_ =	shalt  }
.Lfunc_end2:
_tile_overlayer_lowered:
.L_overlay_start_2:
0x6c: {  	(tag) =	ssettag $0x2  }
0x6d: {  	s0 =	rddreg [dreg:$0x0];
	s2 =	stileid.u32  }
0x6e: {  	s1 =	rddreg [dreg:$0x1];
	p0 =	sne.s32 s2, $0x0  }
0x6f: {  	s3 =	rddreg [dreg:$0x2];
	[bflag:$0x3] =	sbarrier.arrive $0xFFFF;
	s2 =	simm.s32 @!p0 $0x1C03  }
0x70: {  	[timem:s3], [sflag:s2] =	dma.local @!p0 [hbm:s0], s1  }
0x71: {  	s0 =	simm.s32 @!p0 $0x3  }
0x72: {  	_ =	swait.ge @!p0 [sflag:s0], s1  }
0x73: {  	s1 =	ssub.s32 @!p0 $0x0, s1;
	[sflag:s0] =	ssyncset.done @!p0 $0x0  }
0x74: {  	[sflag:s0] =	ssyncadd.s32 @!p0 s1  }
0x75: {  	[bflag:$0x3] =	sbarrier.arrive $0xFFFF  }
0x76: {  	_ =	shalt  }

// kernel: kernel.9.cloned.1.call-start
scs
__scs_entry_jumppad:
0x0: {  	(pc) =	sbr.rel $0x88, $3  }
0x1: {  	(tag) =	ssettag $0x0;
	lr =	simm.s32 $0x1  }
0x2: {  	[smem:$0x3F7A] =	sst lr;
	_ =	strace $0xD0000000  }
0x3: {  	_ = 	snop  }
0x4: {  	_ = 	snop  }
0x5: {  	_ = 	snop  }
0x6: {  	_ = 	snop  }
0x7: {  	_ = 	snop  }
__scs_overlays_trampoline_lowered:
0x8: {  	[smem:$0x3F89] =	sst s0  }
0x9: {  	[smem:$0x3F8A] =	sst s1  }
0xa: {  	[smem:$0x3F8B] =	sst s2  }
0xb: {  	[smem:$0x3F8C] =	sst s3  }
0xc: {  	[smem:$0x3F8D] =	sst s4  }
0xd: {  	[smem:$0x3F8E] =	sst s5  }
0xe: {  	[smem:$0x3F8F] =	sst s6  }
0xf: {  	[smem:$0x3F90] =	sst s7  }
0x10: {  	[smem:$0x3F91] =	sst s8  }
0x11: {  	[smem:$0x3F92] =	sst s9;
	s0 =	simm.s32 @!p0 $0x0  }
0x12: {  	s1 =	sld [smem:$0x3F78];
	s0 =	simm.s32 @p0 $0x1  }
0x13: {  	[smem:$0x3F93] =	sst s0;
	s0 =	simm.s32 @!p1 $0x0  }
0x14: {  	s2 =	sld [smem:$0x3F77];
	s0 =	simm.s32 @p1 $0x1  }
0x15: {  	[smem:$0x3F94] =	sst s0;
	s0 =	simm.s32 @!p2 $0x0  }
0x16: {  	s3 =	sld [smem:$0x3FDB];
	s0 =	simm.s32 @p2 $0x1  }
0x17: {  	s4 =	simm.s32 $0x1BF5;
	[smem:$0x3F96] =	sst s0  }
0x18: {  	s0 =	sld [smem:$0x3F79];
	_ =	swait.ge [sflag:s4], $0x0  }
0x19: {  	s7 =	sld [smem:$0x3F7A]  }
0x1a: {  	s8 =	sadd.s32 $0xFFFFE003, lr  }
0x1b: {  	s9 =	sadd.s32 $0xFFFFFEF7, lr;
	s5 =	simm.s32 $0xFFFFFFFF;
	p2 =	slt.u32 s8, $0xFFFFF086  }
0x1c: {  	p1 =	slt.u32 s9, $0xF7A;
	s5 =	simm.s32 @!p2 $0x0  }
0x1d: {  	s5 =	simm.s32 @p1 $0x1;
	p0 =	seq.s32 s7, s2  }
0x1e: {  	s7 =	smul.u32 @!p0 $0xF7A, s2;
	p2 =	seq.s32 @!p0 s5, $0x0  }
0x1f: {  	s9 =	smul.u32 $0xF7A, s1;
	s8 =	simm.s32 @!p0 $0x1BF5;
	p2 =	por !p2, p0  }
0x20: {  	[sflag:s8] =	ssyncset.s32 @!p0 $0xFFFFF086;
	s6 =	sadd.s32 @!p0 s3, s7;
	s7 =	simm.s32 @!p0 $0x108  }
0x21: {  	s3 =	sadd.s32 s3, s9;
	s6 =	sadd.s32 @!p0 $0x88, s6;
	s7 =	simm.s32 @p2 $0x1082  }
0x22: {  	[simem:s7], [sflag:s8] =	dma.local @!p0 [hbm:s6], $0xF7A  }
0x23: {  	s9 =	sor.u32 $0xD0000000, s2;
	s6 =	simm.s32 $0x108;
	_ =	swait.ge @!p0 [sflag:s8], $0x0  }
0x24: {  	s3 =	sadd.s32 $0x88, s3;
	s6 =	simm.s32 @!p1 $0x1082;
	[sflag:s4] =	ssyncset.s32 $0xFFFFF086  }
0x25: {  	[simem:s6], [sflag:s4] =	dma.local [hbm:s3], $0xF7A  }
0x26: {  	[smem:$0x3F7A] =	sst s1;
	(tag) =	ssettag s2;
	_ =	strace s9  }
0x27: {  	s1 =	sld [smem:$0x3F8A]  }
0x28: {  	s2 =	sld [smem:$0x3F8B]  }
0x29: {  	s4 =	sld [smem:$0x3F8D]  }
0x2a: {  	p0 =	seq.s32 s5, $0x0;
	s5 =	sld [smem:$0x3F8E]  }
0x2b: {  	s6 =	sld [smem:$0x3F8F]  }
0x2c: {  	s7 =	sld [smem:$0x3F90]  }
0x2d: {  	s3 =	simm.s32 $0x108;
	s8 =	sld [smem:$0x3F91]  }
0x2e: {  	s3 =	simm.s32 @!p0 $0x1082;
	s9 =	sld [smem:$0x3F92]  }
0x2f: {  	lr =	sadd.s32 s0, s3;
	s0 =	sld [smem:$0x3F89]  }
0x30: {  	s3 =	sld [smem:$0x3F8C]  }
0x31: {  	[smem:$0x3F95] =	sst s10  }
0x32: {  	s10 =	sld [smem:$0x3F93];
	_ =	sdelay $0x3  }
0x33: {  	p0 =	seq.s32 s10, $0x1;
	s10 =	sld [smem:$0x3F95];
	_ =	sdelay $0x3  }
0x34: {  	[smem:$0x3F95] =	sst s10  }
0x35: {  	s10 =	sld [smem:$0x3F94];
	_ =	sdelay $0x3  }
0x36: {  	p1 =	seq.s32 s10, $0x1;
	s10 =	sld [smem:$0x3F95];
	_ =	sdelay $0x3  }
0x37: {  	[smem:$0x3F95] =	sst s10  }
0x38: {  	s10 =	sld [smem:$0x3F96]  }
0x39: {  	_ = 	snop;
	(pc) =	sbr.ind lr, $3  }
0x3a: {  	_ = 	snop  }
0x3b: {  	_ = 	snop  }
0x3c: {  	p2 =	seq.s32 s10, $0x1;
	s10 =	sld [smem:$0x3F95]  }
0x3d: {  	_ =	shalt  }
0x3e: {  	_ =	shalt  }
0x3f: {  	_ =	shalt  }
0x40: {  	_ =	shalt  }
0x41: {  	_ =	shalt  }
0x42: {  	_ =	shalt  }
0x43: {  	_ =	shalt  }
0x44: {  	_ =	shalt  }
0x45: {  	_ =	shalt  }
0x46: {  	_ =	shalt  }
0x47: {  	_ =	shalt  }
0x48: {  	_ =	shalt  }
0x49: {  	_ =	shalt  }
0x4a: {  	_ =	shalt  }
0x4b: {  	_ =	shalt  }
0x4c: {  	_ =	shalt  }
0x4d: {  	_ =	shalt  }
0x4e: {  	_ =	shalt  }
0x4f: {  	_ =	shalt  }
0x50: {  	_ =	shalt  }
0x51: {  	_ =	shalt  }
0x52: {  	_ =	shalt  }
0x53: {  	_ =	shalt  }
0x54: {  	_ =	shalt  }
0x55: {  	_ =	shalt  }
0x56: {  	_ =	shalt  }
0x57: {  	_ =	shalt  }
0x58: {  	_ =	shalt  }
0x59: {  	_ =	shalt  }
0x5a: {  	_ =	shalt  }
0x5b: {  	_ =	shalt  }
0x5c: {  	_ =	shalt  }
0x5d: {  	_ =	shalt  }
0x5e: {  	_ =	shalt  }
0x5f: {  	_ =	shalt  }
0x60: {  	_ =	shalt  }
0x61: {  	_ =	shalt  }
0x62: {  	_ =	shalt  }
0x63: {  	_ =	shalt  }
0x64: {  	_ =	shalt  }
0x65: {  	_ =	shalt  }
0x66: {  	_ =	shalt  }
0x67: {  	_ =	shalt  }
0x68: {  	_ =	shalt  }
0x69: {  	_ =	shalt  }
0x6a: {  	_ =	shalt  }
0x6b: {  	_ =	shalt  }
0x6c: {  	_ =	shalt  }
0x6d: {  	_ =	shalt  }
0x6e: {  	_ =	shalt  }
0x6f: {  	_ =	shalt  }
0x70: {  	_ =	shalt  }
0x71: {  	_ =	shalt  }
0x72: {  	_ =	shalt  }
0x73: {  	_ =	shalt  }
0x74: {  	_ =	shalt  }
0x75: {  	_ =	shalt  }
0x76: {  	_ =	shalt  }
0x77: {  	_ =	shalt  }
0x78: {  	_ =	shalt  }
0x79: {  	_ =	shalt  }
0x7a: {  	_ =	shalt  }
0x7b: {  	_ =	shalt  }
0x7c: {  	_ =	shalt  }
0x7d: {  	_ =	shalt  }
0x7e: {  	_ =	shalt  }
0x7f: {  	_ =	shalt  }
0x80: {  	_ =	shalt  }
0x81: {  	_ =	shalt  }
0x82: {  	_ =	shalt  }
0x83: {  	_ =	shalt  }
0x84: {  	_ =	shalt  }
0x85: {  	_ =	shalt  }
0x86: {  	_ =	shalt  }
0x87: {  	_ =	shalt  }
.Lfunc_end0:
.L_simem_size_0:
called_computation_lowered:
.L_overlay_start_0:
0x88: {  	s2 =	sld [smem:$0x3FD9]  }
0x89: {  	s3 =	sld [smem:$0x3FFE];
	_ =	sdelay $0x1  }
0x8a: {  	s1 =	srdreg.scid  }
0x8b: {  	s0 =	sand.u32 $0x1, s1  }
0x8c: {  	s17 =	sshll.u32 s0, $0xA;
	s2 =	sadd.s32 s3, s2  }
0x8d: {  	s2 =	sadd.s32 s2, s17  }
0x8e: {  	[smem:$0x3FA1] =	sst s2  }
0x8f: {  	_ = 	snop  }
0x90: {  	s2 =	sld [smem:$0x3FD0];
	(tm) =	ssettm $0x1  }
0x91: {  	s18 =	sld [smem:$0x3FFB];
	_ =	sdelay $0x3  }
0x92: {  	_ =	strace s18  }
0x93: {  	s3 =	sld [smem:$0x3FFC];
	_ =	sdelay $0x3  }
0x94: {  	_ =	strace s3  }
0x95: {  	s3 =	sld [smem:$0x3FFD];
	_ =	sdelay $0x3  }
0x96: {  	_ =	strace s3  }
0x97: {  	_ =	strace $0x8FFFFFFF  }
0x98: {  	s19 =	sld [smem:$0x3FDB];
	_ =	sdelay $0x1  }
0x99: {  	s4 =	simm.s32 $_scs_section_size  }
0x9a: {  	s5 =	simm.s32 $_size__tile_overlayer_lowered;
	s6 =	simm.s32 $_tile_overlayer_lowered  }
0x9b: {  	s22 =	simm.s32 $0x1BFF;
	s21 =	sshll.u32 s6, $0x1;
	s3 =	sadd.s32 s4, s19  }
0x9c: {  	s7 =	simm.s32 $0x0;
	s20 =	sshll.u32 s5, $0x1;
	s5 =	sadd.s32 s21, s3  }
0x9d: {  	[timem:s7], [sflag:s22] =	dma.local [hbm:s5], s20  }
0x9e: {  	_ =	swait.ge [sflag:s22], s20  }
0x9f: {  	s4 =	ssub.s32 $0x0, s20;
	[sflag:s22] =	ssyncset.done $0x0  }
0xa0: {  	[sflag:s22] =	ssyncadd.s32 s4;
	_ =	sdelay $0x1  }
0xa1: {  	s23 =	simm.s32 $0x1B8B  }
0xa2: {  	_ =	swait.ge [sflag:s23], $0x1  }
0xa3: {  	[sflag:s23] =	ssyncset.done $0x0  }
0xa4: {  	s25 =	simm.s32 $0x1B8E;
	s24 =	sld [smem:$0x3FFE];
	[sflag:s23] =	ssyncadd.s32 $0xFFFFFFFF  }
0xa5: {  	s26 =	simm.s32 $execute0_lowered;
	[smem:$0x3FD2] =	sst s25  }
0xa6: {  	s5 =	sshll.u32 s26, $0x1;
	_ =	strace $0x80000046;
	[dreg:$0x1] =	wrdreg $0xFFFFFFFF  }
0xa7: {  	s28 =	simm.s32 $_size_execute0_lowered;
	s3 =	sadd.s32 s3, s5;
	[dreg:$0x0] =	wrdreg $0x0  }
0xa8: {  	s5 =	sshll.u32 s28, $0x1;
	[dreg:$0x2] =	wrdreg s3  }
0xa9: {  	[dreg:$0x3] =	wrdreg s5  }
0xaa: {  	[dreg:$0x4] =	wrdreg $0xC0  }
0xab: {  	_ =	task [dreg:s7], $0x5FFFF  }
0xac: {  	[dreg:$0x1] =	wrdreg $0xFFFFFFFF  }
0xad: {  	[dreg:$0x0] =	wrdreg $0x60  }
0xae: {  	[dreg:$0x2] =	wrdreg s24  }
0xaf: {  	[dreg:$0x3] =	wrdreg s2  }
0xb0: {  	[dreg:$0x4] =	wrdreg $0x0  }
0xb1: {  	[dreg:$0x5] =	wrdreg $0x9  }
0xb2: {  	_ =	task.clear_ibuf [dreg:s7], $0x6FFFF;
	_ =	strace $0x90000046  }
0xb3: {  	s29 =	simm.s32 $0x9;
	_ =	strace $0x80000048  }
0xb4: {  	_ =	swait.ge [sflag:s29], $0x1  }
0xb5: {  	[sflag:s29] =	ssyncadd.s32 $0xFFFFFFFF  }
0xb6: {  	_ =	strace $0x90000048  }
0xb7: {  	_ =	sfence  }
0xb8: {  	s30 =	sld [smem:$0x0];
	_ =	sdelay $0x2  }
0xb9: {  	s31 =	sshll.u32 s1, $0xD;
	s1 =	sshrl.u32 s1, $0x2  }
0xba: {  	s3 =	sand.u32 $0x4000, s31;
	s1 =	sadd.s32 s1, s30  }
0xbb: {  	s0 =	sor.u32 s3, s0;
	s1 =	sshll.u32 s1, $0x11  }
0xbc: {  	s0 =	sor.u32 s1, s0  }
0xbd: {  	s0 =	sadd.s32 $0x8F2B, s0  }
0xbe: {  	[sflag:s0] =	ssyncadd.remote.s32 $0x1  }
0xbf: {  	_ =	sfence.sel $0xFFFF  }
0xc0: {  	[dreg:$0x0] =	wrdreg $0xFFFFFFFF;
	(pc) =	sbr.abs _section_cstart, $3  }
0xc1: {  	[dreg:$0x1] =	wrdreg $0xFFFFFFFF  }
0xc2: {  	_ =	task.clear_ibuf [dreg:s7], $0x2FFFF;
	_ =	strace $0x9FFFFFFF  }
0xc3: {  	(tm) =	ssettm $0x7FFFFFFF  }
tec
execute0_lowered:
.L_overlay_start_1:
0x0: {  	(tag) =	ssettag $0x1  }
0x1: {  	s6 =	rddreg [dreg:$0x0]  }
0x2: {  	s7 =	rddreg [dreg:$0x1]  }
0x3: {  	s2 =	rddreg [dreg:$0x2]  }
0x4: {  	s0 =	rddreg [dreg:$0x3]  }
0x5: {  	s1 =	stileid.u32;
	s4 =	srdreg.scid;
	s3 =	simm.s32 $0x0  }
0x6: {  	s15 =	simm.s32 $0x50;
	s16 =	simm.s32 $0x1D640;
	s17 =	simm.s32 $0x1EA40  }
0x7: {  	s18 =	simm.s32 $0x1;
	s19 =	simm.s32 $0x2;
	s20 =	simm.s32 $0x187D0  }
0x8: {  	s21 =	simm.s32 $0x1D5A0;
	s22 =	simm.s32 $0x1D5F0;
	s8 =	smul.u32 $0x4E20, s1  }
0x9: {  	s23 =	simm.s32 $0x0;
	s5 =	sand.u32 $0x1, s4;
	s9 =	smul.u32 $0x13A00, s1  }
0xa: {  	[smem:$0x7FF] =	sst s3;
	s4 =	sadd.s32 $0x10000, s6;
	s30 =	sshll.u32 s1, $0x6  }
0xb: {  	s11 =	smul.u32 $0x13A000, s5;
	_ =	strace $0x80000047;
	s12 =	ssub.s32 $0x2, s5  }
0xc: {  	s13 =	smul.u32 $0x4E200, s5;
	s5 =	sadd.s32 $0x5E200, s6;
	s10 =	sshrl.u32 s8, $0x3  }
0xd: {  	s14 =	sshrl.u32 s12, $0x1;
	s29 =	sadd.s32 s9, s2;
	s10 =	sadd.s32 s10, s6  }
0xe: {  	s11 =	sadd.s32 s9, s11;
	s12 =	ssub.s32 s12, s14;
	s28 =	sadd.s32 s8, s13  }
0xf: {  	s13 =	simm.s32 $0x13A00;
	s14 =	simm.s32 $0x18820;
	s11 =	sshrl.u32 s11, $0x3  }
0x10: {  	s31 =	sshrl.u32 s28, $0x3;
	s8 =	sadd.s32 $0x6200, s10;
	s10 =	smax.u32 s12, $0x1  }
0x11: {  	s12 =	simm.s32 $0x3;
	s11 =	sadd.s32 s11, s6;
	s6 =	sor.u32 $0x1C03, s30  }
0x12: {  	s7 =	sadd.s32 s7, s31;
	s9 =	sadd.s32 $0x60A00, s11;
	s11 =	sshrl.u32 s29, $0x3  }
.LBB2_1:
0x13: {  	[spmem:s11], [sflag:s6] =	dma.local [hbm:s5], $0x2740  }
0x14: {  	_ =	swait.ge [sflag:s12], $0x2740  }
0x15: {  	[sflag:s12] =	ssyncset.done $0x0  }
0x16: {  	[sflag:s12] =	ssyncadd.s32 $0xFFFFD8C0  }
0x17: {  	[bflag:$0x0] =	sbarrier.arrive $0xFFFF  }
0x18: {  	[tilespmem:s13], [sflag:$0x3] =	stream.linear.gather [hbm4b:s7+s3], $0x4E20, $0x38;
	[tilespmem:$0x1FE40] =	vst v63  }
0x19: {  	_ =	swait.ge [sflag:s12], $0x4E20  }
0x1a: {  	[sflag:s12] =	ssyncset.done $0x0  }
0x1b: {  	[sflag:s12] =	ssyncadd.s32 $0xFFFFB1E0  }
0x1c: {  	[tilespmem:s14], [sflag:$0x3] =	stream.linear.gather [hbm4b:s8+s3], $0x4E20, $0x38;
	[tilespmem:$0x1FE40] =	vst v63  }
0x1d: {  	_ =	swait.ge [sflag:s12], $0x4E20  }
0x1e: {  	[sflag:s12] =	ssyncset.done $0x0  }
0x1f: {  	[sflag:s12] =	ssyncadd.s32 $0xFFFFB1E0  }
0x20: {  	[tilespmem:s16], [sflag:$0x1] =	stream.indirect.gather [hbm4b:s4+s15], $0x40, s13, s15, $0xb8;
	[tilespmem:$0x1FE40] =	vst v63  }
0x21: {  	s24 =	simm.s32 $0x13A50  }
0x22: {  	[tilespmem:s17], [sflag:$0x2] =	stream.indirect.gather [hbm4b:s4+s15], $0x40, s24, s15, $0xb8;
	[tilespmem:$0x1FE40] =	vst v63  }
0x23: {  	_ =	swait.ge [sflag:s18], $0x1400  }
0x24: {  	[sflag:s18] =	ssyncset.done $0x0  }
0x25: {  	s29 =	simm.s32 $0x18820;
	[sflag:s18] =	ssyncadd.s32 $0xFFFFEC00  }
0x26: {  	[spmem:s2] =	stream.indirect.scatter.add.f32 [tilespmem:s16], [sflag:$0x3], $0x40, s29, s15, $0xb8;
	[tilespmem:$0x1FE40] =	vst v63  }
0x27: {  	_ =	swait.ge [sflag:s12], $0x1400  }
0x28: {  	[sflag:s12] =	ssyncset.done $0x0  }
0x29: {  	s30 =	simm.s32 $0x13AA0;
	[sflag:s12] =	ssyncadd.s32 $0xFFFFEC00  }
0x2a: {  	[tilespmem:s16], [sflag:$0x1] =	stream.indirect.gather [hbm4b:s4+s15], $0x40, s30, s15, $0xb8;
	[tilespmem:$0x1FE40] =	vst v63  }
0x2b: {  	_ =	swait.ge [sflag:s19], $0x1400  }
0x2c: {  	[sflag:s19] =	ssyncset.done $0x0  }
0x2d: {  	s31 =	simm.s32 $0x18870;
	[sflag:s19] =	ssyncadd.s32 $0xFFFFEC00  }
0x2e: {  	[spmem:s2] =	stream.indirect.scatter.add.f32 [tilespmem:s17], [sflag:$0x3], $0x40, s31, s15, $0xb8;
	[tilespmem:$0x1FE40] =	vst v63  }
0x2f: {  	_ =	swait.ge [sflag:s12], $0x1400  }
0x30: {  	s25 =	simm.s32 $0x500;
	s24 =	simm.s32 $0xA0;
	[sflag:s12] =	ssyncset.done $0x0  }
.LBB2_2:
0x31: {  	s26 =	sadd.s32 $0x13A50, s24  }
0x32: {  	[sflag:s12] =	ssyncadd.s32 $0xFFFFEC00;
	s28 =	smov.u32 s25;
	s29 =	sadd.s32 $0x280, s25  }
0x33: {  	[tilespmem:s17], [sflag:$0x2] =	stream.indirect.gather [hbm4b:s4+s15], $0x40, s26, s15, $0xb8;
	[tilespmem:$0x1FE40] =	vst v63  }
0x34: {  	p0 =	sne.s32 s25, $0x13380;
	_ =	swait.ge [sflag:s18], $0x1400  }
0x35: {  	[sflag:s18] =	ssyncset.done $0x0  }
0x36: {  	s25 =	sadd.s32 $0x18820, s24;
	[sflag:s18] =	ssyncadd.s32 $0xFFFFEC00  }
0x37: {  	[spmem:s2] =	stream.indirect.scatter.add.f32 [tilespmem:s16], [sflag:$0x3], $0x40, s25, s15, $0xb8;
	[tilespmem:$0x1FE40] =	vst v63  }
0x38: {  	_ =	swait.ge [sflag:s12], $0x1400  }
0x39: {  	[sflag:s12] =	ssyncset.done $0x0  }
0x3a: {  	s25 =	sadd.s32 $0x13AA0, s24;
	[sflag:s12] =	ssyncadd.s32 $0xFFFFEC00  }
0x3b: {  	[tilespmem:s16], [sflag:$0x1] =	stream.indirect.gather [hbm4b:s4+s15], $0x40, s25, s15, $0xb8;
	[tilespmem:$0x1FE40] =	vst v63  }
0x3c: {  	_ =	swait.ge [sflag:s19], $0x1400  }
.Ltmp0:
0x3d: {  	[sflag:s19] =	ssyncset.done $0x0;
	(pc) =	sbr.rel @p0 .LBB2_2-.Ltmp0, $4  }
0x3e: {  	s24 =	sadd.s32 $0x18870, s24;
	[sflag:s19] =	ssyncadd.s32 $0xFFFFEC00  }
0x3f: {  	[spmem:s2] =	stream.indirect.scatter.add.f32 [tilespmem:s17], [sflag:$0x3], $0x40, s24, s15, $0xb8;
	[tilespmem:$0x1FE40] =	vst v63  }
0x40: {  	_ =	swait.ge [sflag:s12], $0x1400  }
0x41: {  	s25 =	smov.u32 s29;
	s24 =	sshra.s32 s28, $0x2;
	[sflag:s12] =	ssyncset.done $0x0  }
0x42: {  	s25 =	sadd.s32 $0x13A50, s24;
	[sflag:s12] =	ssyncadd.s32 $0xFFFFEC00  }
0x43: {  	[tilespmem:s17], [sflag:$0x2] =	stream.indirect.gather [hbm4b:s4+s15], $0x40, s25, s15, $0xb8;
	[tilespmem:$0x1FE40] =	vst v63  }
0x44: {  	_ =	swait.ge [sflag:s18], $0x1400  }
0x45: {  	[sflag:s18] =	ssyncset.done $0x0  }
0x46: {  	s29 =	sadd.s32 $0x18820, s24;
	[sflag:s18] =	ssyncadd.s32 $0xFFFFEC00  }
0x47: {  	[spmem:s2] =	stream.indirect.scatter.add.f32 [tilespmem:s16], [sflag:$0x3], $0x40, s29, s15, $0xb8;
	[tilespmem:$0x1FE40] =	vst v63  }
0x48: {  	_ =	swait.ge [sflag:s12], $0x1400  }
0x49: {  	[sflag:s12] =	ssyncset.done $0x0  }
0x4a: {  	s30 =	sadd.s32 $0x13AA0, s24;
	[sflag:s12] =	ssyncadd.s32 $0xFFFFEC00  }
0x4b: {  	[tilespmem:s16], [sflag:$0x1] =	stream.indirect.gather [hbm4b:s4+s15], $0x40, s30, s15, $0xb8;
	[tilespmem:$0x1FE40] =	vst v63  }
0x4c: {  	_ =	swait.ge [sflag:s19], $0x1400  }
0x4d: {  	[sflag:s19] =	ssyncset.done $0x0  }
0x4e: {  	s31 =	sadd.s32 $0x18870, s24;
	[sflag:s19] =	ssyncadd.s32 $0xFFFFEC00  }
0x4f: {  	[spmem:s2] =	stream.indirect.scatter.add.f32 [tilespmem:s17], [sflag:$0x3], $0x40, s31, s15, $0xb8;
	[tilespmem:$0x1FE40] =	vst v63  }
0x50: {  	_ =	swait.ge [sflag:s12], $0x1400  }
0x51: {  	[sflag:s12] =	ssyncset.done $0x0  }
0x52: {  	[sflag:s12] =	ssyncadd.s32 $0xFFFFEC00  }
0x53: {  	[tilespmem:s17], [sflag:$0x2] =	stream.indirect.gather [hbm4b:s4+s15], $0x40, s20, s15, $0xb8;
	[tilespmem:$0x1FE40] =	vst v63  }
0x54: {  	_ =	swait.ge [sflag:s18], $0x1400  }
0x55: {  	[sflag:s18] =	ssyncset.done $0x0  }
0x56: {  	[sflag:s18] =	ssyncadd.s32 $0xFFFFEC00  }
0x57: {  	[spmem:s2] =	stream.indirect.scatter.add.f32 [tilespmem:s16], [sflag:$0x3], $0x40, s21, s15, $0xb8;
	[tilespmem:$0x1FE40] =	vst v63  }
0x58: {  	_ =	swait.ge [sflag:s12], $0x1400  }
0x59: {  	[sflag:s12] =	ssyncset.done $0x0  }
0x5a: {  	[sflag:s12] =	ssyncadd.s32 $0xFFFFEC00  }
0x5b: {  	_ =	swait.ge [sflag:s19], $0x1400  }
0x5c: {  	[sflag:s19] =	ssyncset.done $0x0  }
0x5d: {  	[sflag:s19] =	ssyncadd.s32 $0xFFFFEC00  }
0x5e: {  	[spmem:s2] =	stream.indirect.scatter.add.f32 [tilespmem:s17], [sflag:$0x3], $0x40, s22, s15, $0xb8;
	[tilespmem:$0x1FE40] =	vst v63  }
0x5f: {  	_ =	swait.ge [sflag:s12], $0x1400  }
0x60: {  	s23 =	sadd.s32 $0x1, s23;
	[sflag:s12] =	ssyncset.done $0x0  }
0x61: {  	p0 =	sne.s32 s23, s10;
	[sflag:s12] =	ssyncadd.s32 $0xFFFFEC00  }
.Ltmp1:
0x62: {  	[bflag:$0x0] =	sbarrier.arrive $0xFFFF;
	(pc) =	sbr.rel @p0 .LBB2_1-.Ltmp1, $4  }
0x63: {  	[hbm:s9], [sflag:s6] =	dma.local [spmem:s11], $0x2740  }
0x64: {  	_ =	swait.ge [sflag:s12], $0x2740  }
0x65: {  	[sflag:s12] =	ssyncset.done $0x0  }
0x66: {  	[sflag:s12] =	ssyncadd.s32 $0xFFFFD8C0  }
0x67: {  	_ =	sfence.sel $0x180000  }
0x68: {  	[bflag:$0x0] =	sbarrier.arrive $0xFFFF  }
0x69: {  	p0 =	sne.s32 s1, $0x0;
	_ =	strace $0x90000047  }
0x6a: {  	s0 =	sadd.s32 @!p0 $0x100000, s0;
	[bflag:$0x2] =	sbarrier.arrive $0xFFFF  }
0x6b: {  	[sflag:s0] =	ssyncadd.tile.s32 @!p0 $0x1;
	_ =	shalt  }
.Lfunc_end2:
_tile_overlayer_lowered:
.L_overlay_start_2:
0x6c: {  	(tag) =	ssettag $0x2  }
0x6d: {  	s0 =	rddreg [dreg:$0x0];
	s2 =	stileid.u32  }
0x6e: {  	s1 =	rddreg [dreg:$0x1];
	p0 =	sne.s32 s2, $0x0  }
0x6f: {  	s3 =	rddreg [dreg:$0x2];
	[bflag:$0x3] =	sbarrier.arrive $0xFFFF;
	s2 =	simm.s32 @!p0 $0x1C03  }
0x70: {  	[timem:s3], [sflag:s2] =	dma.local @!p0 [hbm:s0], s1  }
0x71: {  	s0 =	simm.s32 @!p0 $0x3  }
0x72: {  	_ =	swait.ge @!p0 [sflag:s0], s1  }
0x73: {  	s1 =	ssub.s32 @!p0 $0x0, s1;
	[sflag:s0] =	ssyncset.done @!p0 $0x0  }
0x74: {  	[sflag:s0] =	ssyncadd.s32 @!p0 s1  }
0x75: {  	[bflag:$0x3] =	sbarrier.arrive $0xFFFF  }
0x76: {  	_ =	shalt  }

</sc_bundles>
